<compile_context>
chip_gen: v7x
topology: tpu7x:2x2x1
jax: 0.10.2.dev20260603
libtpu: 0.0.44.dev20260713+nightly
codegen_flags: <defaults>
</compile_context>

<pallas_src>
import jax
import jax.numpy as jnp
from jax import lax
from jax.experimental import pallas as pl
from jax.experimental.pallas import tpu as pltpu
from jax.experimental.pallas import tpu_sc as plsc

_f32 = jnp.float32
_i32 = jnp.int32

D = 128
N_USERS = 4000
N_ITEMS = 6000
N = N_USERS + N_ITEMS
E = 320000
NPAD = 10240
NSUB = 16
NT = NPAD // NSUB
ECH = 1256
EW = ECH * 16
EPAD = EW * NSUB
ICH = N_ITEMS // 16


def _dense_body(x_ref, w0_ref, w1_ref, wl_ref, b0_ref, b1_ref, bl_ref,
                z_ref, betas_ref):
    w2 = jnp.dot(w1_ref[...], wl_ref[...], preferred_element_type=_f32)
    w1v = jnp.dot(w0_ref[...], w2, preferred_element_type=_f32)
    z_ref[...] = jnp.dot(x_ref[...], w1v, preferred_element_type=_f32)
    beta1 = jnp.dot(b0_ref[...], w2, preferred_element_type=_f32)
    beta2 = jnp.dot(b1_ref[...], wl_ref[...], preferred_element_type=_f32)
    beta2 = beta2 + bl_ref[...]
    betas_ref[...] = jnp.concatenate(
        [jnp.broadcast_to(beta1, (1, D)), jnp.broadcast_to(beta2, (1, D))],
        axis=0)


def _fast_rsqrt(d):
    i = plsc.bitcast(d, _i32)
    y = plsc.bitcast(jnp.int32(0x5F3759DF) - (i >> 1), _f32)
    for _ in range(3):
        y = y * (1.5 - 0.5 * d * y * y)
    return y


def _sc_body(z_hbm, src_hbm, dst_hbm, item_hbm, betas_hbm,
             out_hbm,
             esrc, edst, tbl, acc, ptmp, rsl, zsl, dinvsl, thsl, vhsl, bb,
             items_v, res_v, sh_all, sh_tbl):
    t = lax.axis_index("s")
    core = lax.axis_index("c")
    ones = jnp.full((16,), 1.0, _f32)

    pltpu.sync_copy(src_hbm.at[pl.ds(t * EW, EW)], esrc)
    pltpu.sync_copy(dst_hbm.at[pl.ds(t * EW, EW)], edst)
    pltpu.sync_copy(z_hbm.at[pl.ds(t * NT, NT)], zsl)
    pltpu.sync_copy(betas_hbm, bb)

    def zero_acc():
        @plsc.parallel_loop(0, NPAD // 16, unroll=8)
        def _(r):
            acc[pl.ds(r * 16, 16)] = jnp.zeros((16,), _f32)

    def scatter_pass(gather_from_tbl):
        zero_acc()

        @plsc.parallel_loop(0, ECH, unroll=8)
        def _(i):
            di = edst[pl.ds(i * 16, 16)]
            if gather_from_tbl:
                si = esrc[pl.ds(i * 16, 16)]
                vals = plsc.load_gather(tbl, [si])
            else:
                vals = ones
            plsc.addupdate_scatter(acc, [di], vals)

    def reduce_acc():
        pltpu.sync_copy(acc, sh_all.at[t])
        plsc.subcore_barrier()
        pltpu.sync_copy(sh_all.at[0, pl.ds(t * NT, NT)], rsl)

        def rb(p, c):
            pltpu.sync_copy(sh_all.at[p, pl.ds(t * NT, NT)], ptmp)

            @plsc.parallel_loop(0, NT // 16, unroll=8)
            def _(r):
                o = r * 16
                rsl[pl.ds(o, 16)] = rsl[pl.ds(o, 16)] + ptmp[pl.ds(o, 16)]
            return c
        lax.fori_loop(1, NSUB, rb, 0)
        plsc.subcore_barrier()

    def publish_and_reload(slice_ref):
        pltpu.sync_copy(slice_ref, sh_tbl.at[pl.ds(t * NT, NT)])
        plsc.subcore_barrier()
        pltpu.sync_copy(sh_tbl, tbl)

    scatter_pass(gather_from_tbl=False)
    reduce_acc()

    @plsc.parallel_loop(0, NT // 16, unroll=4)
    def _(r):
        o = r * 16
        dv = _fast_rsqrt(rsl[pl.ds(o, 16)] + 1.0)
        dinvsl[pl.ds(o, 16)] = dv
        thsl[pl.ds(o, 16)] = zsl[pl.ds(o, 16)] * dv
    publish_and_reload(thsl)

    scatter_pass(gather_from_tbl=True)
    reduce_acc()
    b1v = bb[pl.ds(0, 16)]

    @plsc.parallel_loop(0, NT // 16, unroll=4)
    def _(r):
        o = r * 16
        vv = dinvsl[pl.ds(o, 16)] * (rsl[pl.ds(o, 16)] + thsl[pl.ds(o, 16)])
        vhsl[pl.ds(o, 16)] = (vv + b1v) * dinvsl[pl.ds(o, 16)]
    publish_and_reload(vhsl)

    scatter_pass(gather_from_tbl=True)
    reduce_acc()
    b2v = bb[pl.ds(16, 16)]

    @plsc.parallel_loop(0, NT // 16, unroll=4)
    def _(r):
        o = r * 16
        sv = dinvsl[pl.ds(o, 16)] * (rsl[pl.ds(o, 16)] + vhsl[pl.ds(o, 16)])
        thsl[pl.ds(o, 16)] = sv + b2v
    pltpu.sync_copy(thsl, sh_tbl.at[pl.ds(t * NT, NT)])
    plsc.subcore_barrier()

    @pl.when(jnp.logical_and(t == 0, core == 0))
    def _final():
        pltpu.sync_copy(sh_tbl, tbl)
        pltpu.sync_copy(item_hbm, items_v)

        @plsc.parallel_loop(0, ICH, unroll=8,
                            carry=jnp.full((16,), -1e30, _f32))
        def m(i, mc):
            it = items_v[pl.ds(i * 16, 16)]
            sv = plsc.load_gather(tbl, [it])
            res_v[pl.ds(i * 16, 16)] = sv
            return jnp.maximum(mc, sv)
        gm = jnp.max(m)

        @plsc.parallel_loop(0, ICH, unroll=8, carry=jnp.zeros((16,), _f32))
        def ssum(i, sc_):
            o = i * 16
            e = jnp.exp(res_v[pl.ds(o, 16)] - gm)
            res_v[pl.ds(o, 16)] = e
            return sc_ + e
        invv = jnp.ones((16,), _f32) / jnp.broadcast_to(jnp.sum(ssum), (16,))

        @plsc.parallel_loop(0, ICH, unroll=8)
        def _(i):
            o = i * 16
            res_v[pl.ds(o, 16)] = res_v[pl.ds(o, 16)] * invv
        pltpu.sync_copy(res_v, out_hbm)


def kernel(item, edge_index, user_embedding_weight, source_item_embedding_weight,
           W0, b0, W1, b1, Wl, bl, domain_prior):
    x = jnp.concatenate([user_embedding_weight, source_item_embedding_weight],
                        axis=0)
    z, betas = pl.pallas_call(
        _dense_body,
        out_shape=[jax.ShapeDtypeStruct((N, 1), _f32),
                   jax.ShapeDtypeStruct((2, D), _f32)],
    )(x, W0, W1, Wl, b0.reshape(1, D), b1.reshape(1, D), bl.reshape(1, 1))

    z1d = jnp.pad(z[:, 0], (0, NPAD - N))
    src1d = jnp.pad(edge_index[0].astype(_i32), (0, EPAD - E),
                    constant_values=N)
    dst1d = jnp.pad(edge_index[1].astype(_i32), (0, EPAD - E),
                    constant_values=N)
    item1d = item.astype(_i32)
    betas1d = betas[:, :16].reshape(32)

    sc = pl.kernel(
        _sc_body,
        out_type=jax.ShapeDtypeStruct((N_ITEMS,), _f32),
        mesh=plsc.VectorSubcoreMesh(core_axis_name="c", subcore_axis_name="s"),
        compiler_params=pltpu.CompilerParams(needs_layout_passes=False),
        scratch_types=[
            pltpu.VMEM((EW,), _i32),
            pltpu.VMEM((EW,), _i32),
            pltpu.VMEM((NPAD,), _f32),
            pltpu.VMEM((NPAD,), _f32),
            pltpu.VMEM((NT,), _f32),
            pltpu.VMEM((NT,), _f32),
            pltpu.VMEM((NT,), _f32),
            pltpu.VMEM((NT,), _f32),
            pltpu.VMEM((NT,), _f32),
            pltpu.VMEM((NT,), _f32),
            pltpu.VMEM((32,), _f32),
            pltpu.VMEM((N_ITEMS,), _i32),
            pltpu.VMEM((N_ITEMS,), _f32),
            pltpu.VMEM_SHARED((NSUB, NPAD), _f32),
            pltpu.VMEM_SHARED((NPAD,), _f32),
        ],
    )
    probs = sc(z1d, src1d, dst1d, item1d, betas1d)
    return jax.nn.relu(domain_prior) * probs.reshape(N_ITEMS, 1)

# --- scband reference (transcript-rebuilt; emitter-appended) ---
"""Pipeline reference for scband-perceptor-20401094656118 (READ-ONLY COPY).

The authoritative reference and input builder live on the scoring server;
editing this copy changes nothing except your own understanding.
"""

import jax, jax.numpy as jnp
import numpy as np

D = 128
N_USERS = 4000
N_ITEMS = 6000
N = N_USERS + N_ITEMS
E = 320000


def setup_inputs(seed: int = 0) -> dict:
    key = jax.random.key(seed)
    ks = jax.random.split(key, 10)
    item = jax.random.randint(ks[0], (N_ITEMS,), 0, N)
    edge_index = jax.random.randint(ks[1], (2, E), 0, N)
    user_embedding_weight = jax.random.normal(ks[2], (N_USERS, D), dtype=jnp.float32) * 0.02
    source_item_embedding_weight = jax.random.normal(ks[3], (N_ITEMS, D), dtype=jnp.float32) * 0.02
    W0 = jax.random.normal(ks[4], (D, D), dtype=jnp.float32) / np.sqrt(D)
    b0 = jnp.zeros((D,), dtype=jnp.float32)
    W1 = jax.random.normal(ks[5], (D, D), dtype=jnp.float32) / np.sqrt(D)
    b1 = jnp.zeros((D,), dtype=jnp.float32)
    Wl = jax.random.normal(ks[6], (D, 1), dtype=jnp.float32) / np.sqrt(D)
    bl = jnp.zeros((1,), dtype=jnp.float32)
    domain_prior = jnp.ones((1, 1), dtype=jnp.float32)
    return {
        "item": item,
        "edge_index": edge_index,
        "user_embedding_weight": user_embedding_weight,
        "source_item_embedding_weight": source_item_embedding_weight,
        "W0": W0, "b0": b0, "W1": W1, "b1": b1,
        "Wl": Wl, "bl": bl, "domain_prior": domain_prior,
    }


def gcn_conv(x, edge_index, W, b):
    n = x.shape[0]
    self_loops = jnp.arange(n)
    src = jnp.concatenate([edge_index[0], self_loops])
    dst = jnp.concatenate([edge_index[1], self_loops])
    deg = jnp.zeros((n,), x.dtype).at[dst].add(1.0)
    dinv = jax.lax.rsqrt(jnp.maximum(deg, 1.0))
    norm = dinv[src] * dinv[dst]
    msg = x[src] * norm[:, None]
    agg = jnp.zeros_like(x).at[dst].add(msg)
    return agg @ W + b


def reference(item, edge_index, user_embedding_weight, source_item_embedding_weight,
              W0, b0, W1, b1, Wl, bl, domain_prior):
    x = jnp.concatenate([user_embedding_weight, source_item_embedding_weight], axis=0)
    x = gcn_conv(x, edge_index, W0, b0)
    x = gcn_conv(x, edge_index, W1, b1)
    item_prior = (x @ Wl + bl)[item]
    return jax.nn.relu(domain_prior) * jax.nn.softmax(item_prior, axis=0)

if __name__ == "__main__":
    import jax
    _d = setup_inputs()
    print(jax.jit(kernel)(*tuple(_d.values())))

</pallas_src>

<mosaic_0001>
#map = affine_map<(d0, d1) -> (0)>
module attributes {stable_mosaic.version = 14 : i64} {
  func.func @_sc_body(%arg0: i32, %arg1: i32, %arg2: memref<10240xf32, #tpu.memory_space<hbm>>, %arg3: memref<321536xi32, #tpu.memory_space<hbm>>, %arg4: memref<321536xi32, #tpu.memory_space<hbm>>, %arg5: memref<6000xi32, #tpu.memory_space<hbm>>, %arg6: memref<32xf32, #tpu.memory_space<hbm>>, %arg7: memref<6000xf32, #tpu.memory_space<hbm>>, %arg8: memref<20096xi32, #tpu.memory_space<vmem>>, %arg9: memref<20096xi32, #tpu.memory_space<vmem>>, %arg10: memref<10240xf32, #tpu.memory_space<vmem>>, %arg11: memref<10240xf32, #tpu.memory_space<vmem>>, %arg12: memref<640xf32, #tpu.memory_space<vmem>>, %arg13: memref<640xf32, #tpu.memory_space<vmem>>, %arg14: memref<640xf32, #tpu.memory_space<vmem>>, %arg15: memref<640xf32, #tpu.memory_space<vmem>>, %arg16: memref<640xf32, #tpu.memory_space<vmem>>, %arg17: memref<640xf32, #tpu.memory_space<vmem>>, %arg18: memref<32xf32, #tpu.memory_space<vmem>>, %arg19: memref<6000xi32, #tpu.memory_space<vmem>>, %arg20: memref<6000xf32, #tpu.memory_space<vmem>>, %arg21: memref<16x10240xf32, #tpu.memory_space<vmem_shared>>, %arg22: memref<10240xf32, #tpu.memory_space<vmem_shared>>) attributes {dimension_semantics = [#tpu.dimension_semantics<core_parallel>, #tpu.dimension_semantics<subcore_parallel>], iteration_bounds = array<i64: 2, 16>, scalar_prefetch = 0 : i64, scratch_operands = 15 : i64, tpu.core_type = #tpu.core_type<sc_vector_subcore>, window_params = [{transform_indices = #map}, {transform_indices = #map}, {transform_indices = #map}, {transform_indices = #map}, {transform_indices = #map}, {transform_indices = #map}]} {
    %broadcast_in_dim3A = arith.constant 1.000000e+00 : f32
    %broadcast_in_dim3A_0 = vector.broadcast %broadcast_in_dim3A : f32 to vector<16xf32>
    %mul3A = arith.constant 20096 : i32
    %mul3A_1 = arith.muli %arg1, %mul3A : i32
    "tpu.region"() ({
      %run_scoped3A_78 = tpu.sem_alloc : memref<!tpu.dma_semaphore, #tpu.memory_space<semaphore_mem>>
      %dma_start3A = tpu.memref_slice %arg3[%mul3A_1] : memref<321536xi32, #tpu.memory_space<hbm>> -> memref<20096xi32, #tpu.memory_space<hbm>>
      %dma_start3A_79 = tpu.memref_slice %arg3[%mul3A_1] : memref<321536xi32, #tpu.memory_space<hbm>> -> memref<20096xi32, #tpu.memory_space<hbm>>
      tpu.enqueue_dma source(%dma_start3A_79 : memref<20096xi32, #tpu.memory_space<hbm>>) target(%arg8 : memref<20096xi32, #tpu.memory_space<vmem>>) target_semaphore(%run_scoped3A_78 : memref<!tpu.dma_semaphore, #tpu.memory_space<semaphore_mem>>)
      %dma_wait3A = tpu.memref_slice %arg3[%mul3A_1] : memref<321536xi32, #tpu.memory_space<hbm>> -> memref<20096xi32, #tpu.memory_space<hbm>>
      %dma_wait3A_80 = tpu.memref_slice %arg3[%mul3A_1] : memref<321536xi32, #tpu.memory_space<hbm>> -> memref<20096xi32, #tpu.memory_space<hbm>>
      tpu.wait_dma2 semaphore(%run_scoped3A_78 : memref<!tpu.dma_semaphore, #tpu.memory_space<semaphore_mem>>) src(%dma_wait3A_80 : memref<20096xi32, #tpu.memory_space<hbm>>) dst(%arg8 : memref<20096xi32, #tpu.memory_space<vmem>>)
      tpu.yield
    }) : () -> ()
    %mul3A_2 = arith.constant 20096 : i32
    %mul3A_3 = arith.muli %arg1, %mul3A_2 : i32
    "tpu.region"() ({
      %run_scoped3A_78 = tpu.sem_alloc : memref<!tpu.dma_semaphore, #tpu.memory_space<semaphore_mem>>
      %dma_start3A = tpu.memref_slice %arg4[%mul3A_3] : memref<321536xi32, #tpu.memory_space<hbm>> -> memref<20096xi32, #tpu.memory_space<hbm>>
      %dma_start3A_79 = tpu.memref_slice %arg4[%mul3A_3] : memref<321536xi32, #tpu.memory_space<hbm>> -> memref<20096xi32, #tpu.memory_space<hbm>>
      tpu.enqueue_dma source(%dma_start3A_79 : memref<20096xi32, #tpu.memory_space<hbm>>) target(%arg9 : memref<20096xi32, #tpu.memory_space<vmem>>) target_semaphore(%run_scoped3A_78 : memref<!tpu.dma_semaphore, #tpu.memory_space<semaphore_mem>>)
      %dma_wait3A = tpu.memref_slice %arg4[%mul3A_3] : memref<321536xi32, #tpu.memory_space<hbm>> -> memref<20096xi32, #tpu.memory_space<hbm>>
      %dma_wait3A_80 = tpu.memref_slice %arg4[%mul3A_3] : memref<321536xi32, #tpu.memory_space<hbm>> -> memref<20096xi32, #tpu.memory_space<hbm>>
      tpu.wait_dma2 semaphore(%run_scoped3A_78 : memref<!tpu.dma_semaphore, #tpu.memory_space<semaphore_mem>>) src(%dma_wait3A_80 : memref<20096xi32, #tpu.memory_space<hbm>>) dst(%arg9 : memref<20096xi32, #tpu.memory_space<vmem>>)
      tpu.yield
    }) : () -> ()
    %mul3A_4 = arith.constant 640 : i32
    %mul3A_5 = arith.muli %arg1, %mul3A_4 : i32
    "tpu.region"() ({
      %run_scoped3A_78 = tpu.sem_alloc : memref<!tpu.dma_semaphore, #tpu.memory_space<semaphore_mem>>
      %dma_start3A = tpu.memref_slice %arg2[%mul3A_5] : memref<10240xf32, #tpu.memory_space<hbm>> -> memref<640xf32, #tpu.memory_space<hbm>>
      %dma_start3A_79 = tpu.memref_slice %arg2[%mul3A_5] : memref<10240xf32, #tpu.memory_space<hbm>> -> memref<640xf32, #tpu.memory_space<hbm>>
      tpu.enqueue_dma source(%dma_start3A_79 : memref<640xf32, #tpu.memory_space<hbm>>) target(%arg14 : memref<640xf32, #tpu.memory_space<vmem>>) target_semaphore(%run_scoped3A_78 : memref<!tpu.dma_semaphore, #tpu.memory_space<semaphore_mem>>)
      %dma_wait3A = tpu.memref_slice %arg2[%mul3A_5] : memref<10240xf32, #tpu.memory_space<hbm>> -> memref<640xf32, #tpu.memory_space<hbm>>
      %dma_wait3A_80 = tpu.memref_slice %arg2[%mul3A_5] : memref<10240xf32, #tpu.memory_space<hbm>> -> memref<640xf32, #tpu.memory_space<hbm>>
      tpu.wait_dma2 semaphore(%run_scoped3A_78 : memref<!tpu.dma_semaphore, #tpu.memory_space<semaphore_mem>>) src(%dma_wait3A_80 : memref<640xf32, #tpu.memory_space<hbm>>) dst(%arg14 : memref<640xf32, #tpu.memory_space<vmem>>)
      tpu.yield
    }) : () -> ()
    "tpu.region"() ({
      %run_scoped3A_78 = tpu.sem_alloc : memref<!tpu.dma_semaphore, #tpu.memory_space<semaphore_mem>>
      tpu.enqueue_dma source(%arg6 : memref<32xf32, #tpu.memory_space<hbm>>) target(%arg18 : memref<32xf32, #tpu.memory_space<vmem>>) target_semaphore(%run_scoped3A_78 : memref<!tpu.dma_semaphore, #tpu.memory_space<semaphore_mem>>)
      tpu.wait_dma2 semaphore(%run_scoped3A_78 : memref<!tpu.dma_semaphore, #tpu.memory_space<semaphore_mem>>) src(%arg6 : memref<32xf32, #tpu.memory_space<hbm>>) dst(%arg18 : memref<32xf32, #tpu.memory_space<vmem>>)
      tpu.yield
    }) : () -> ()
    %parallel_loop3A = arith.constant 0 : i32
    %parallel_loop3A_6 = arith.constant 640 : i32
    %parallel_loop3A_7 = arith.constant 1 : i32
    scf.for %parallel_loop3A_78 = %parallel_loop3A to %parallel_loop3A_6 step %parallel_loop3A_7  : i32 {
      %parallel_loop3A_79 = arith.constant 0.000000e+00 : f32
      %parallel_loop3A_80 = vector.broadcast %parallel_loop3A_79 : f32 to vector<16xf32>
      %parallel_loop3A_81 = arith.constant 16 : i32
      %parallel_loop3A_82 = arith.muli %parallel_loop3A_78, %parallel_loop3A_81 : i32
      %parallel_loop3A_83 = arith.index_cast %parallel_loop3A_82 : i32 to index
      %parallel_loop3A_84 = tpu.vector_load %arg11[%parallel_loop3A_83] {strides = array<i32>} : memref<10240xf32, #tpu.memory_space<vmem>>, vector<16xf32>,
      tpu.vector_store %arg11[%parallel_loop3A_83], %parallel_loop3A_80 {strides = array<i32>} : memref<10240xf32, #tpu.memory_space<vmem>>, vector<16xf32>,
    } {sc.loop_unroll_factor = 8 : i64, sc.parallel_access}
    %parallel_loop3A_8 = arith.constant 0 : i32
    %parallel_loop3A_9 = arith.constant 1256 : i32
    %parallel_loop3A_10 = arith.constant 1 : i32
    scf.for %parallel_loop3A_78 = %parallel_loop3A_8 to %parallel_loop3A_9 step %parallel_loop3A_10  : i32 {
      %parallel_loop3A_79 = arith.constant 16 : i32
      %parallel_loop3A_80 = arith.muli %parallel_loop3A_78, %parallel_loop3A_79 : i32
      %parallel_loop3A_81 = arith.index_cast %parallel_loop3A_80 : i32 to index
      %parallel_loop3A_82 = tpu.vector_load %arg9[%parallel_loop3A_81] {strides = array<i32>} : memref<20096xi32, #tpu.memory_space<vmem>>, vector<16xi32>,
      tpu.vector_store_idx %arg11[%parallel_loop3A_82], %broadcast_in_dim3A_0 {add = true} : memref<10240xf32, #tpu.memory_space<vmem>>[vector<16xi32>], vector<16xf32>,
    } {sc.loop_unroll_factor = 8 : i64, sc.parallel_access}
    "tpu.region"() ({
      %run_scoped3A_78 = tpu.sem_alloc : memref<!tpu.dma_semaphore, #tpu.memory_space<semaphore_mem>>
      %dma_start3A = arith.constant 0 : i32
      %dma_start3A_79 = tpu.memref_slice %arg21[%arg1, %dma_start3A] : memref<16x10240xf32, #tpu.memory_space<vmem_shared>> -> memref<1x10240xf32, #tpu.memory_space<vmem_shared>>
      %dma_start3A_80 = tpu.memref_squeeze %dma_start3A_79 : memref<1x10240xf32, #tpu.memory_space<vmem_shared>> -> memref<10240xf32, #tpu.memory_space<vmem_shared>>
      %dma_start3A_81 = arith.constant 0 : i32
      %dma_start3A_82 = tpu.memref_slice %arg21[%arg1, %dma_start3A_81] : memref<16x10240xf32, #tpu.memory_space<vmem_shared>> -> memref<1x10240xf32, #tpu.memory_space<vmem_shared>>
      %dma_start3A_83 = tpu.memref_squeeze %dma_start3A_82 : memref<1x10240xf32, #tpu.memory_space<vmem_shared>> -> memref<10240xf32, #tpu.memory_space<vmem_shared>>
      tpu.enqueue_dma source(%arg11 : memref<10240xf32, #tpu.memory_space<vmem>>) target(%dma_start3A_83 : memref<10240xf32, #tpu.memory_space<vmem_shared>>) target_semaphore(%run_scoped3A_78 : memref<!tpu.dma_semaphore, #tpu.memory_space<semaphore_mem>>)
      %dma_wait3A = arith.constant 0 : i32
      %dma_wait3A_84 = tpu.memref_slice %arg21[%arg1, %dma_wait3A] : memref<16x10240xf32, #tpu.memory_space<vmem_shared>> -> memref<1x10240xf32, #tpu.memory_space<vmem_shared>>
      %dma_wait3A_85 = tpu.memref_squeeze %dma_wait3A_84 : memref<1x10240xf32, #tpu.memory_space<vmem_shared>> -> memref<10240xf32, #tpu.memory_space<vmem_shared>>
      %dma_wait3A_86 = arith.constant 0 : i32
      %dma_wait3A_87 = tpu.memref_slice %arg21[%arg1, %dma_wait3A_86] : memref<16x10240xf32, #tpu.memory_space<vmem_shared>> -> memref<1x10240xf32, #tpu.memory_space<vmem_shared>>
      %dma_wait3A_88 = tpu.memref_squeeze %dma_wait3A_87 : memref<1x10240xf32, #tpu.memory_space<vmem_shared>> -> memref<10240xf32, #tpu.memory_space<vmem_shared>>
      tpu.wait_dma2 semaphore(%run_scoped3A_78 : memref<!tpu.dma_semaphore, #tpu.memory_space<semaphore_mem>>) src(%arg11 : memref<10240xf32, #tpu.memory_space<vmem>>) dst(%dma_wait3A_88 : memref<10240xf32, #tpu.memory_space<vmem_shared>>)
      tpu.yield
    }) : () -> ()
    %barrier3A = arith.constant 0 : index
    tpu.barrier barrier_id(%barrier3A)
    %mul3A_11 = arith.constant 640 : i32
    %mul3A_12 = arith.muli %arg1, %mul3A_11 : i32
    %run_scoped3A = arith.constant 0 : i32
    "tpu.region"() ({
      %run_scoped3A_78 = tpu.sem_alloc : memref<!tpu.dma_semaphore, #tpu.memory_space<semaphore_mem>>
      %dma_start3A = tpu.memref_slice %arg21[%run_scoped3A, %mul3A_12] : memref<16x10240xf32, #tpu.memory_space<vmem_shared>> -> memref<1x640xf32, #tpu.memory_space<vmem_shared>>
      %dma_start3A_79 = tpu.memref_squeeze %dma_start3A : memref<1x640xf32, #tpu.memory_space<vmem_shared>> -> memref<640xf32, #tpu.memory_space<vmem_shared>>
      %dma_start3A_80 = tpu.memref_slice %arg21[%run_scoped3A, %mul3A_12] : memref<16x10240xf32, #tpu.memory_space<vmem_shared>> -> memref<1x640xf32, #tpu.memory_space<vmem_shared>>
      %dma_start3A_81 = tpu.memref_squeeze %dma_start3A_80 : memref<1x640xf32, #tpu.memory_space<vmem_shared>> -> memref<640xf32, #tpu.memory_space<vmem_shared>>
      tpu.enqueue_dma source(%dma_start3A_81 : memref<640xf32, #tpu.memory_space<vmem_shared>>) target(%arg13 : memref<640xf32, #tpu.memory_space<vmem>>) target_semaphore(%run_scoped3A_78 : memref<!tpu.dma_semaphore, #tpu.memory_space<semaphore_mem>>)
      %dma_wait3A = tpu.memref_slice %arg21[%run_scoped3A, %mul3A_12] : memref<16x10240xf32, #tpu.memory_space<vmem_shared>> -> memref<1x640xf32, #tpu.memory_space<vmem_shared>>
      %dma_wait3A_82 = tpu.memref_squeeze %dma_wait3A : memref<1x640xf32, #tpu.memory_space<vmem_shared>> -> memref<640xf32, #tpu.memory_space<vmem_shared>>
      %dma_wait3A_83 = tpu.memref_slice %arg21[%run_scoped3A, %mul3A_12] : memref<16x10240xf32, #tpu.memory_space<vmem_shared>> -> memref<1x640xf32, #tpu.memory_space<vmem_shared>>
      %dma_wait3A_84 = tpu.memref_squeeze %dma_wait3A_83 : memref<1x640xf32, #tpu.memory_space<vmem_shared>> -> memref<640xf32, #tpu.memory_space<vmem_shared>>
      tpu.wait_dma2 semaphore(%run_scoped3A_78 : memref<!tpu.dma_semaphore, #tpu.memory_space<semaphore_mem>>) src(%dma_wait3A_84 : memref<640xf32, #tpu.memory_space<vmem_shared>>) dst(%arg13 : memref<640xf32, #tpu.memory_space<vmem>>)
      tpu.yield
    }) : () -> ()
    %scan3A = arith.constant 0 : i32
    %scan3A_13 = arith.constant 1 : i32
    %scan3A_14 = arith.constant 15 : i32
    %scan3A_15 = arith.addi %scan3A_13, %scan3A_14 : i32
    %scan3A_16 = arith.constant 1 : i32
    scf.for %scan3A_78 = %scan3A_13 to %scan3A_15 step %scan3A_16  : i32 {
      %mul3A_79 = arith.constant 640 : i32
      %mul3A_80 = arith.muli %arg1, %mul3A_79 : i32
      "tpu.region"() ({
        %run_scoped3A_84 = tpu.sem_alloc : memref<!tpu.dma_semaphore, #tpu.memory_space<semaphore_mem>>
        %dma_start3A = tpu.memref_slice %arg21[%scan3A_78, %mul3A_80] : memref<16x10240xf32, #tpu.memory_space<vmem_shared>> -> memref<1x640xf32, #tpu.memory_space<vmem_shared>>
        %dma_start3A_85 = tpu.memref_squeeze %dma_start3A : memref<1x640xf32, #tpu.memory_space<vmem_shared>> -> memref<640xf32, #tpu.memory_space<vmem_shared>>
        %dma_start3A_86 = tpu.memref_slice %arg21[%scan3A_78, %mul3A_80] : memref<16x10240xf32, #tpu.memory_space<vmem_shared>> -> memref<1x640xf32, #tpu.memory_space<vmem_shared>>
        %dma_start3A_87 = tpu.memref_squeeze %dma_start3A_86 : memref<1x640xf32, #tpu.memory_space<vmem_shared>> -> memref<640xf32, #tpu.memory_space<vmem_shared>>
        tpu.enqueue_dma source(%dma_start3A_87 : memref<640xf32, #tpu.memory_space<vmem_shared>>) target(%arg12 : memref<640xf32, #tpu.memory_space<vmem>>) target_semaphore(%run_scoped3A_84 : memref<!tpu.dma_semaphore, #tpu.memory_space<semaphore_mem>>)
        %dma_wait3A = tpu.memref_slice %arg21[%scan3A_78, %mul3A_80] : memref<16x10240xf32, #tpu.memory_space<vmem_shared>> -> memref<1x640xf32, #tpu.memory_space<vmem_shared>>
        %dma_wait3A_88 = tpu.memref_squeeze %dma_wait3A : memref<1x640xf32, #tpu.memory_space<vmem_shared>> -> memref<640xf32, #tpu.memory_space<vmem_shared>>
        %dma_wait3A_89 = tpu.memref_slice %arg21[%scan3A_78, %mul3A_80] : memref<16x10240xf32, #tpu.memory_space<vmem_shared>> -> memref<1x640xf32, #tpu.memory_space<vmem_shared>>
        %dma_wait3A_90 = tpu.memref_squeeze %dma_wait3A_89 : memref<1x640xf32, #tpu.memory_space<vmem_shared>> -> memref<640xf32, #tpu.memory_space<vmem_shared>>
        tpu.wait_dma2 semaphore(%run_scoped3A_84 : memref<!tpu.dma_semaphore, #tpu.memory_space<semaphore_mem>>) src(%dma_wait3A_90 : memref<640xf32, #tpu.memory_space<vmem_shared>>) dst(%arg12 : memref<640xf32, #tpu.memory_space<vmem>>)
        tpu.yield
      }) : () -> ()
      %parallel_loop3A_81 = arith.constant 0 : i32
      %parallel_loop3A_82 = arith.constant 40 : i32
      %parallel_loop3A_83 = arith.constant 1 : i32
      scf.for %parallel_loop3A_84 = %parallel_loop3A_81 to %parallel_loop3A_82 step %parallel_loop3A_83  : i32 {
        %parallel_loop3A_85 = arith.constant 16 : i32
        %parallel_loop3A_86 = arith.muli %parallel_loop3A_84, %parallel_loop3A_85 : i32
        %parallel_loop3A_87 = arith.index_cast %parallel_loop3A_86 : i32 to index
        %parallel_loop3A_88 = tpu.vector_load %arg13[%parallel_loop3A_87] {strides = array<i32>} : memref<640xf32, #tpu.memory_space<vmem>>, vector<16xf32>,
        %parallel_loop3A_89 = arith.index_cast %parallel_loop3A_86 : i32 to index
        %parallel_loop3A_90 = tpu.vector_load %arg12[%parallel_loop3A_89] {strides = array<i32>} : memref<640xf32, #tpu.memory_space<vmem>>, vector<16xf32>,
        %parallel_loop3A_91 = arith.addf %parallel_loop3A_88, %parallel_loop3A_90 : vector<16xf32>
        %parallel_loop3A_92 = arith.index_cast %parallel_loop3A_86 : i32 to index
        %parallel_loop3A_93 = tpu.vector_load %arg13[%parallel_loop3A_92] {strides = array<i32>} : memref<640xf32, #tpu.memory_space<vmem>>, vector<16xf32>,
        tpu.vector_store %arg13[%parallel_loop3A_92], %parallel_loop3A_91 {strides = array<i32>} : memref<640xf32, #tpu.memory_space<vmem>>, vector<16xf32>,
      } {sc.loop_unroll_factor = 8 : i64, sc.parallel_access}
    }
    %scan3A_17 = arith.constant 15 : i32
    %barrier3A_18 = arith.constant 0 : index
    tpu.barrier barrier_id(%barrier3A_18)
    %parallel_loop3A_19 = arith.constant 0 : i32
    %parallel_loop3A_20 = arith.constant 40 : i32
    %parallel_loop3A_21 = arith.constant 1 : i32
    scf.for %parallel_loop3A_78 = %parallel_loop3A_19 to %parallel_loop3A_20 step %parallel_loop3A_21  : i32 {
      %parallel_loop3A_79 = arith.constant 16 : i32
      %parallel_loop3A_80 = arith.muli %parallel_loop3A_78, %parallel_loop3A_79 : i32
      %parallel_loop3A_81 = arith.index_cast %parallel_loop3A_80 : i32 to index
      %parallel_loop3A_82 = tpu.vector_load %arg13[%parallel_loop3A_81] {strides = array<i32>} : memref<640xf32, #tpu.memory_space<vmem>>, vector<16xf32>,
      %parallel_loop3A_83 = arith.constant 1.000000e+00 : f32
      %parallel_loop3A_84 = vector.broadcast %parallel_loop3A_83 : f32 to vector<16xf32>
      %parallel_loop3A_85 = arith.addf %parallel_loop3A_82, %parallel_loop3A_84 : vector<16xf32>
      %parallel_loop3A_86 = vector.bitcast %parallel_loop3A_85 : vector<16xf32> to vector<16xi32>
      %parallel_loop3A_87 = arith.constant 1 : i32
      %parallel_loop3A_88 = vector.broadcast %parallel_loop3A_87 : i32 to vector<16xi32>
      %parallel_loop3A_89 = arith.shrsi %parallel_loop3A_86, %parallel_loop3A_88 : vector<16xi32>
      %parallel_loop3A_90 = arith.constant 1597463007 : i32
      %parallel_loop3A_91 = vector.broadcast %parallel_loop3A_90 : i32 to vector<16xi32>
      %parallel_loop3A_92 = arith.subi %parallel_loop3A_91, %parallel_loop3A_89 : vector<16xi32>
      %parallel_loop3A_93 = vector.bitcast %parallel_loop3A_92 : vector<16xi32> to vector<16xf32>
      %parallel_loop3A_94 = arith.constant 5.000000e-01 : f32
      %parallel_loop3A_95 = vector.broadcast %parallel_loop3A_94 : f32 to vector<16xf32>
      %parallel_loop3A_96 = arith.mulf %parallel_loop3A_95, %parallel_loop3A_85 : vector<16xf32>
      %parallel_loop3A_97 = arith.mulf %parallel_loop3A_96, %parallel_loop3A_93 : vector<16xf32>
      %parallel_loop3A_98 = arith.mulf %parallel_loop3A_97, %parallel_loop3A_93 : vector<16xf32>
      %parallel_loop3A_99 = arith.constant 1.500000e+00 : f32
      %parallel_loop3A_100 = vector.broadcast %parallel_loop3A_99 : f32 to vector<16xf32>
      %parallel_loop3A_101 = arith.subf %parallel_loop3A_100, %parallel_loop3A_98 : vector<16xf32>
      %parallel_loop3A_102 = arith.mulf %parallel_loop3A_93, %parallel_loop3A_101 : vector<16xf32>
      %parallel_loop3A_103 = arith.constant 5.000000e-01 : f32
      %parallel_loop3A_104 = vector.broadcast %parallel_loop3A_103 : f32 to vector<16xf32>
      %parallel_loop3A_105 = arith.mulf %parallel_loop3A_104, %parallel_loop3A_85 : vector<16xf32>
      %parallel_loop3A_106 = arith.mulf %parallel_loop3A_105, %parallel_loop3A_102 : vector<16xf32>
      %parallel_loop3A_107 = arith.mulf %parallel_loop3A_106, %parallel_loop3A_102 : vector<16xf32>
      %parallel_loop3A_108 = arith.constant 1.500000e+00 : f32
      %parallel_loop3A_109 = vector.broadcast %parallel_loop3A_108 : f32 to vector<16xf32>
      %parallel_loop3A_110 = arith.subf %parallel_loop3A_109, %parallel_loop3A_107 : vector<16xf32>
      %parallel_loop3A_111 = arith.mulf %parallel_loop3A_102, %parallel_loop3A_110 : vector<16xf32>
      %parallel_loop3A_112 = arith.constant 5.000000e-01 : f32
      %parallel_loop3A_113 = vector.broadcast %parallel_loop3A_112 : f32 to vector<16xf32>
      %parallel_loop3A_114 = arith.mulf %parallel_loop3A_113, %parallel_loop3A_85 : vector<16xf32>
      %parallel_loop3A_115 = arith.mulf %parallel_loop3A_114, %parallel_loop3A_111 : vector<16xf32>
      %parallel_loop3A_116 = arith.mulf %parallel_loop3A_115, %parallel_loop3A_111 : vector<16xf32>
      %parallel_loop3A_117 = arith.constant 1.500000e+00 : f32
      %parallel_loop3A_118 = vector.broadcast %parallel_loop3A_117 : f32 to vector<16xf32>
      %parallel_loop3A_119 = arith.subf %parallel_loop3A_118, %parallel_loop3A_116 : vector<16xf32>
      %parallel_loop3A_120 = arith.mulf %parallel_loop3A_111, %parallel_loop3A_119 : vector<16xf32>
      %parallel_loop3A_121 = arith.index_cast %parallel_loop3A_80 : i32 to index
      %parallel_loop3A_122 = tpu.vector_load %arg15[%parallel_loop3A_121] {strides = array<i32>} : memref<640xf32, #tpu.memory_space<vmem>>, vector<16xf32>,
      tpu.vector_store %arg15[%parallel_loop3A_121], %parallel_loop3A_120 {strides = array<i32>} : memref<640xf32, #tpu.memory_space<vmem>>, vector<16xf32>,
      %parallel_loop3A_123 = arith.index_cast %parallel_loop3A_80 : i32 to index
      %parallel_loop3A_124 = tpu.vector_load %arg14[%parallel_loop3A_123] {strides = array<i32>} : memref<640xf32, #tpu.memory_space<vmem>>, vector<16xf32>,
      %parallel_loop3A_125 = arith.mulf %parallel_loop3A_124, %parallel_loop3A_120 : vector<16xf32>
      %parallel_loop3A_126 = arith.index_cast %parallel_loop3A_80 : i32 to index
      %parallel_loop3A_127 = tpu.vector_load %arg16[%parallel_loop3A_126] {strides = array<i32>} : memref<640xf32, #tpu.memory_space<vmem>>, vector<16xf32>,
      tpu.vector_store %arg16[%parallel_loop3A_126], %parallel_loop3A_125 {strides = array<i32>} : memref<640xf32, #tpu.memory_space<vmem>>, vector<16xf32>,
    } {sc.loop_unroll_factor = 4 : i64, sc.parallel_access}
    %mul3A_22 = arith.constant 640 : i32
    %mul3A_23 = arith.muli %arg1, %mul3A_22 : i32
    "tpu.region"() ({
      %run_scoped3A_78 = tpu.sem_alloc : memref<!tpu.dma_semaphore, #tpu.memory_space<semaphore_mem>>
      %dma_start3A = tpu.memref_slice %arg22[%mul3A_23] : memref<10240xf32, #tpu.memory_space<vmem_shared>> -> memref<640xf32, #tpu.memory_space<vmem_shared>>
      %dma_start3A_79 = tpu.memref_slice %arg22[%mul3A_23] : memref<10240xf32, #tpu.memory_space<vmem_shared>> -> memref<640xf32, #tpu.memory_space<vmem_shared>>
      tpu.enqueue_dma source(%arg16 : memref<640xf32, #tpu.memory_space<vmem>>) target(%dma_start3A_79 : memref<640xf32, #tpu.memory_space<vmem_shared>>) target_semaphore(%run_scoped3A_78 : memref<!tpu.dma_semaphore, #tpu.memory_space<semaphore_mem>>)
      %dma_wait3A = tpu.memref_slice %arg22[%mul3A_23] : memref<10240xf32, #tpu.memory_space<vmem_shared>> -> memref<640xf32, #tpu.memory_space<vmem_shared>>
      %dma_wait3A_80 = tpu.memref_slice %arg22[%mul3A_23] : memref<10240xf32, #tpu.memory_space<vmem_shared>> -> memref<640xf32, #tpu.memory_space<vmem_shared>>
      tpu.wait_dma2 semaphore(%run_scoped3A_78 : memref<!tpu.dma_semaphore, #tpu.memory_space<semaphore_mem>>) src(%arg16 : memref<640xf32, #tpu.memory_space<vmem>>) dst(%dma_wait3A_80 : memref<640xf32, #tpu.memory_space<vmem_shared>>)
      tpu.yield
    }) : () -> ()
    %barrier3A_24 = arith.constant 0 : index
    tpu.barrier barrier_id(%barrier3A_24)
    "tpu.region"() ({
      %run_scoped3A_78 = tpu.sem_alloc : memref<!tpu.dma_semaphore, #tpu.memory_space<semaphore_mem>>
      tpu.enqueue_dma source(%arg22 : memref<10240xf32, #tpu.memory_space<vmem_shared>>) target(%arg10 : memref<10240xf32, #tpu.memory_space<vmem>>) target_semaphore(%run_scoped3A_78 : memref<!tpu.dma_semaphore, #tpu.memory_space<semaphore_mem>>)
      tpu.wait_dma2 semaphore(%run_scoped3A_78 : memref<!tpu.dma_semaphore, #tpu.memory_space<semaphore_mem>>) src(%arg22 : memref<10240xf32, #tpu.memory_space<vmem_shared>>) dst(%arg10 : memref<10240xf32, #tpu.memory_space<vmem>>)
      tpu.yield
    }) : () -> ()
    %parallel_loop3A_25 = arith.constant 0 : i32
    %parallel_loop3A_26 = arith.constant 640 : i32
    %parallel_loop3A_27 = arith.constant 1 : i32
    scf.for %parallel_loop3A_78 = %parallel_loop3A_25 to %parallel_loop3A_26 step %parallel_loop3A_27  : i32 {
      %parallel_loop3A_79 = arith.constant 0.000000e+00 : f32
      %parallel_loop3A_80 = vector.broadcast %parallel_loop3A_79 : f32 to vector<16xf32>
      %parallel_loop3A_81 = arith.constant 16 : i32
      %parallel_loop3A_82 = arith.muli %parallel_loop3A_78, %parallel_loop3A_81 : i32
      %parallel_loop3A_83 = arith.index_cast %parallel_loop3A_82 : i32 to index
      %parallel_loop3A_84 = tpu.vector_load %arg11[%parallel_loop3A_83] {strides = array<i32>} : memref<10240xf32, #tpu.memory_space<vmem>>, vector<16xf32>,
      tpu.vector_store %arg11[%parallel_loop3A_83], %parallel_loop3A_80 {strides = array<i32>} : memref<10240xf32, #tpu.memory_space<vmem>>, vector<16xf32>,
    } {sc.loop_unroll_factor = 8 : i64, sc.parallel_access}
    %parallel_loop3A_28 = arith.constant 0 : i32
    %parallel_loop3A_29 = arith.constant 1256 : i32
    %parallel_loop3A_30 = arith.constant 1 : i32
    scf.for %parallel_loop3A_78 = %parallel_loop3A_28 to %parallel_loop3A_29 step %parallel_loop3A_30  : i32 {
      %parallel_loop3A_79 = arith.constant 16 : i32
      %parallel_loop3A_80 = arith.muli %parallel_loop3A_78, %parallel_loop3A_79 : i32
      %parallel_loop3A_81 = arith.index_cast %parallel_loop3A_80 : i32 to index
      %parallel_loop3A_82 = tpu.vector_load %arg9[%parallel_loop3A_81] {strides = array<i32>} : memref<20096xi32, #tpu.memory_space<vmem>>, vector<16xi32>,
      %parallel_loop3A_83 = arith.constant 16 : i32
      %parallel_loop3A_84 = arith.muli %parallel_loop3A_78, %parallel_loop3A_83 : i32
      %parallel_loop3A_85 = arith.index_cast %parallel_loop3A_84 : i32 to index
      %parallel_loop3A_86 = tpu.vector_load %arg8[%parallel_loop3A_85] {strides = array<i32>} : memref<20096xi32, #tpu.memory_space<vmem>>, vector<16xi32>,
      %parallel_loop3A_87 = tpu.vector_load_idx %arg10[%parallel_loop3A_86] : memref<10240xf32, #tpu.memory_space<vmem>>[vector<16xi32>], vector<16xf32>,
      tpu.vector_store_idx %arg11[%parallel_loop3A_82], %parallel_loop3A_87 {add = true} : memref<10240xf32, #tpu.memory_space<vmem>>[vector<16xi32>], vector<16xf32>,
    } {sc.loop_unroll_factor = 8 : i64, sc.parallel_access}
    "tpu.region"() ({
      %run_scoped3A_78 = tpu.sem_alloc : memref<!tpu.dma_semaphore, #tpu.memory_space<semaphore_mem>>
      %dma_start3A = arith.constant 0 : i32
      %dma_start3A_79 = tpu.memref_slice %arg21[%arg1, %dma_start3A] : memref<16x10240xf32, #tpu.memory_space<vmem_shared>> -> memref<1x10240xf32, #tpu.memory_space<vmem_shared>>
      %dma_start3A_80 = tpu.memref_squeeze %dma_start3A_79 : memref<1x10240xf32, #tpu.memory_space<vmem_shared>> -> memref<10240xf32, #tpu.memory_space<vmem_shared>>
      %dma_start3A_81 = arith.constant 0 : i32
      %dma_start3A_82 = tpu.memref_slice %arg21[%arg1, %dma_start3A_81] : memref<16x10240xf32, #tpu.memory_space<vmem_shared>> -> memref<1x10240xf32, #tpu.memory_space<vmem_shared>>
      %dma_start3A_83 = tpu.memref_squeeze %dma_start3A_82 : memref<1x10240xf32, #tpu.memory_space<vmem_shared>> -> memref<10240xf32, #tpu.memory_space<vmem_shared>>
      tpu.enqueue_dma source(%arg11 : memref<10240xf32, #tpu.memory_space<vmem>>) target(%dma_start3A_83 : memref<10240xf32, #tpu.memory_space<vmem_shared>>) target_semaphore(%run_scoped3A_78 : memref<!tpu.dma_semaphore, #tpu.memory_space<semaphore_mem>>)
      %dma_wait3A = arith.constant 0 : i32
      %dma_wait3A_84 = tpu.memref_slice %arg21[%arg1, %dma_wait3A] : memref<16x10240xf32, #tpu.memory_space<vmem_shared>> -> memref<1x10240xf32, #tpu.memory_space<vmem_shared>>
      %dma_wait3A_85 = tpu.memref_squeeze %dma_wait3A_84 : memref<1x10240xf32, #tpu.memory_space<vmem_shared>> -> memref<10240xf32, #tpu.memory_space<vmem_shared>>
      %dma_wait3A_86 = arith.constant 0 : i32
      %dma_wait3A_87 = tpu.memref_slice %arg21[%arg1, %dma_wait3A_86] : memref<16x10240xf32, #tpu.memory_space<vmem_shared>> -> memref<1x10240xf32, #tpu.memory_space<vmem_shared>>
      %dma_wait3A_88 = tpu.memref_squeeze %dma_wait3A_87 : memref<1x10240xf32, #tpu.memory_space<vmem_shared>> -> memref<10240xf32, #tpu.memory_space<vmem_shared>>
      tpu.wait_dma2 semaphore(%run_scoped3A_78 : memref<!tpu.dma_semaphore, #tpu.memory_space<semaphore_mem>>) src(%arg11 : memref<10240xf32, #tpu.memory_space<vmem>>) dst(%dma_wait3A_88 : memref<10240xf32, #tpu.memory_space<vmem_shared>>)
      tpu.yield
    }) : () -> ()
    %barrier3A_31 = arith.constant 0 : index
    tpu.barrier barrier_id(%barrier3A_31)
    %mul3A_32 = arith.constant 640 : i32
    %mul3A_33 = arith.muli %arg1, %mul3A_32 : i32
    %run_scoped3A_34 = arith.constant 0 : i32
    "tpu.region"() ({
      %run_scoped3A_78 = tpu.sem_alloc : memref<!tpu.dma_semaphore, #tpu.memory_space<semaphore_mem>>
      %dma_start3A = tpu.memref_slice %arg21[%run_scoped3A_34, %mul3A_33] : memref<16x10240xf32, #tpu.memory_space<vmem_shared>> -> memref<1x640xf32, #tpu.memory_space<vmem_shared>>
      %dma_start3A_79 = tpu.memref_squeeze %dma_start3A : memref<1x640xf32, #tpu.memory_space<vmem_shared>> -> memref<640xf32, #tpu.memory_space<vmem_shared>>
      %dma_start3A_80 = tpu.memref_slice %arg21[%run_scoped3A_34, %mul3A_33] : memref<16x10240xf32, #tpu.memory_space<vmem_shared>> -> memref<1x640xf32, #tpu.memory_space<vmem_shared>>
      %dma_start3A_81 = tpu.memref_squeeze %dma_start3A_80 : memref<1x640xf32, #tpu.memory_space<vmem_shared>> -> memref<640xf32, #tpu.memory_space<vmem_shared>>
      tpu.enqueue_dma source(%dma_start3A_81 : memref<640xf32, #tpu.memory_space<vmem_shared>>) target(%arg13 : memref<640xf32, #tpu.memory_space<vmem>>) target_semaphore(%run_scoped3A_78 : memref<!tpu.dma_semaphore, #tpu.memory_space<semaphore_mem>>)
      %dma_wait3A = tpu.memref_slice %arg21[%run_scoped3A_34, %mul3A_33] : memref<16x10240xf32, #tpu.memory_space<vmem_shared>> -> memref<1x640xf32, #tpu.memory_space<vmem_shared>>
      %dma_wait3A_82 = tpu.memref_squeeze %dma_wait3A : memref<1x640xf32, #tpu.memory_space<vmem_shared>> -> memref<640xf32, #tpu.memory_space<vmem_shared>>
      %dma_wait3A_83 = tpu.memref_slice %arg21[%run_scoped3A_34, %mul3A_33] : memref<16x10240xf32, #tpu.memory_space<vmem_shared>> -> memref<1x640xf32, #tpu.memory_space<vmem_shared>>
      %dma_wait3A_84 = tpu.memref_squeeze %dma_wait3A_83 : memref<1x640xf32, #tpu.memory_space<vmem_shared>> -> memref<640xf32, #tpu.memory_space<vmem_shared>>
      tpu.wait_dma2 semaphore(%run_scoped3A_78 : memref<!tpu.dma_semaphore, #tpu.memory_space<semaphore_mem>>) src(%dma_wait3A_84 : memref<640xf32, #tpu.memory_space<vmem_shared>>) dst(%arg13 : memref<640xf32, #tpu.memory_space<vmem>>)
      tpu.yield
    }) : () -> ()
    %scan3A_35 = arith.constant 0 : i32
    %scan3A_36 = arith.constant 1 : i32
    %scan3A_37 = arith.constant 15 : i32
    %scan3A_38 = arith.addi %scan3A_36, %scan3A_37 : i32
    %scan3A_39 = arith.constant 1 : i32
    scf.for %scan3A_78 = %scan3A_36 to %scan3A_38 step %scan3A_39  : i32 {
      %mul3A_79 = arith.constant 640 : i32
      %mul3A_80 = arith.muli %arg1, %mul3A_79 : i32
      "tpu.region"() ({
        %run_scoped3A_84 = tpu.sem_alloc : memref<!tpu.dma_semaphore, #tpu.memory_space<semaphore_mem>>
        %dma_start3A = tpu.memref_slice %arg21[%scan3A_78, %mul3A_80] : memref<16x10240xf32, #tpu.memory_space<vmem_shared>> -> memref<1x640xf32, #tpu.memory_space<vmem_shared>>
        %dma_start3A_85 = tpu.memref_squeeze %dma_start3A : memref<1x640xf32, #tpu.memory_space<vmem_shared>> -> memref<640xf32, #tpu.memory_space<vmem_shared>>
        %dma_start3A_86 = tpu.memref_slice %arg21[%scan3A_78, %mul3A_80] : memref<16x10240xf32, #tpu.memory_space<vmem_shared>> -> memref<1x640xf32, #tpu.memory_space<vmem_shared>>
        %dma_start3A_87 = tpu.memref_squeeze %dma_start3A_86 : memref<1x640xf32, #tpu.memory_space<vmem_shared>> -> memref<640xf32, #tpu.memory_space<vmem_shared>>
        tpu.enqueue_dma source(%dma_start3A_87 : memref<640xf32, #tpu.memory_space<vmem_shared>>) target(%arg12 : memref<640xf32, #tpu.memory_space<vmem>>) target_semaphore(%run_scoped3A_84 : memref<!tpu.dma_semaphore, #tpu.memory_space<semaphore_mem>>)
        %dma_wait3A = tpu.memref_slice %arg21[%scan3A_78, %mul3A_80] : memref<16x10240xf32, #tpu.memory_space<vmem_shared>> -> memref<1x640xf32, #tpu.memory_space<vmem_shared>>
        %dma_wait3A_88 = tpu.memref_squeeze %dma_wait3A : memref<1x640xf32, #tpu.memory_space<vmem_shared>> -> memref<640xf32, #tpu.memory_space<vmem_shared>>
        %dma_wait3A_89 = tpu.memref_slice %arg21[%scan3A_78, %mul3A_80] : memref<16x10240xf32, #tpu.memory_space<vmem_shared>> -> memref<1x640xf32, #tpu.memory_space<vmem_shared>>
        %dma_wait3A_90 = tpu.memref_squeeze %dma_wait3A_89 : memref<1x640xf32, #tpu.memory_space<vmem_shared>> -> memref<640xf32, #tpu.memory_space<vmem_shared>>
        tpu.wait_dma2 semaphore(%run_scoped3A_84 : memref<!tpu.dma_semaphore, #tpu.memory_space<semaphore_mem>>) src(%dma_wait3A_90 : memref<640xf32, #tpu.memory_space<vmem_shared>>) dst(%arg12 : memref<640xf32, #tpu.memory_space<vmem>>)
        tpu.yield
      }) : () -> ()
      %parallel_loop3A_81 = arith.constant 0 : i32
      %parallel_loop3A_82 = arith.constant 40 : i32
      %parallel_loop3A_83 = arith.constant 1 : i32
      scf.for %parallel_loop3A_84 = %parallel_loop3A_81 to %parallel_loop3A_82 step %parallel_loop3A_83  : i32 {
        %parallel_loop3A_85 = arith.constant 16 : i32
        %parallel_loop3A_86 = arith.muli %parallel_loop3A_84, %parallel_loop3A_85 : i32
        %parallel_loop3A_87 = arith.index_cast %parallel_loop3A_86 : i32 to index
        %parallel_loop3A_88 = tpu.vector_load %arg13[%parallel_loop3A_87] {strides = array<i32>} : memref<640xf32, #tpu.memory_space<vmem>>, vector<16xf32>,
        %parallel_loop3A_89 = arith.index_cast %parallel_loop3A_86 : i32 to index
        %parallel_loop3A_90 = tpu.vector_load %arg12[%parallel_loop3A_89] {strides = array<i32>} : memref<640xf32, #tpu.memory_space<vmem>>, vector<16xf32>,
        %parallel_loop3A_91 = arith.addf %parallel_loop3A_88, %parallel_loop3A_90 : vector<16xf32>
        %parallel_loop3A_92 = arith.index_cast %parallel_loop3A_86 : i32 to index
        %parallel_loop3A_93 = tpu.vector_load %arg13[%parallel_loop3A_92] {strides = array<i32>} : memref<640xf32, #tpu.memory_space<vmem>>, vector<16xf32>,
        tpu.vector_store %arg13[%parallel_loop3A_92], %parallel_loop3A_91 {strides = array<i32>} : memref<640xf32, #tpu.memory_space<vmem>>, vector<16xf32>,
      } {sc.loop_unroll_factor = 8 : i64, sc.parallel_access}
    }
    %scan3A_40 = arith.constant 15 : i32
    %barrier3A_41 = arith.constant 0 : index
    tpu.barrier barrier_id(%barrier3A_41)
    %get3A = arith.constant 0 : index
    %get3A_42 = tpu.vector_load %arg18[%get3A] {strides = array<i32>} : memref<32xf32, #tpu.memory_space<vmem>>, vector<16xf32>,
    %parallel_loop3A_43 = arith.constant 0 : i32
    %parallel_loop3A_44 = arith.constant 40 : i32
    %parallel_loop3A_45 = arith.constant 1 : i32
    scf.for %parallel_loop3A_78 = %parallel_loop3A_43 to %parallel_loop3A_44 step %parallel_loop3A_45  : i32 {
      %parallel_loop3A_79 = arith.constant 16 : i32
      %parallel_loop3A_80 = arith.muli %parallel_loop3A_78, %parallel_loop3A_79 : i32
      %parallel_loop3A_81 = arith.index_cast %parallel_loop3A_80 : i32 to index
      %parallel_loop3A_82 = tpu.vector_load %arg15[%parallel_loop3A_81] {strides = array<i32>} : memref<640xf32, #tpu.memory_space<vmem>>, vector<16xf32>,
      %parallel_loop3A_83 = arith.index_cast %parallel_loop3A_80 : i32 to index
      %parallel_loop3A_84 = tpu.vector_load %arg13[%parallel_loop3A_83] {strides = array<i32>} : memref<640xf32, #tpu.memory_space<vmem>>, vector<16xf32>,
      %parallel_loop3A_85 = arith.index_cast %parallel_loop3A_80 : i32 to index
      %parallel_loop3A_86 = tpu.vector_load %arg16[%parallel_loop3A_85] {strides = array<i32>} : memref<640xf32, #tpu.memory_space<vmem>>, vector<16xf32>,
      %parallel_loop3A_87 = arith.addf %parallel_loop3A_84, %parallel_loop3A_86 : vector<16xf32>
      %parallel_loop3A_88 = arith.mulf %parallel_loop3A_82, %parallel_loop3A_87 : vector<16xf32>
      %parallel_loop3A_89 = arith.addf %parallel_loop3A_88, %get3A_42 : vector<16xf32>
      %parallel_loop3A_90 = arith.index_cast %parallel_loop3A_80 : i32 to index
      %parallel_loop3A_91 = tpu.vector_load %arg15[%parallel_loop3A_90] {strides = array<i32>} : memref<640xf32, #tpu.memory_space<vmem>>, vector<16xf32>,
      %parallel_loop3A_92 = arith.mulf %parallel_loop3A_89, %parallel_loop3A_91 : vector<16xf32>
      %parallel_loop3A_93 = arith.index_cast %parallel_loop3A_80 : i32 to index
      %parallel_loop3A_94 = tpu.vector_load %arg17[%parallel_loop3A_93] {strides = array<i32>} : memref<640xf32, #tpu.memory_space<vmem>>, vector<16xf32>,
      tpu.vector_store %arg17[%parallel_loop3A_93], %parallel_loop3A_92 {strides = array<i32>} : memref<640xf32, #tpu.memory_space<vmem>>, vector<16xf32>,
    } {sc.loop_unroll_factor = 4 : i64, sc.parallel_access}
    %mul3A_46 = arith.constant 640 : i32
    %mul3A_47 = arith.muli %arg1, %mul3A_46 : i32
    "tpu.region"() ({
      %run_scoped3A_78 = tpu.sem_alloc : memref<!tpu.dma_semaphore, #tpu.memory_space<semaphore_mem>>
      %dma_start3A = tpu.memref_slice %arg22[%mul3A_47] : memref<10240xf32, #tpu.memory_space<vmem_shared>> -> memref<640xf32, #tpu.memory_space<vmem_shared>>
      %dma_start3A_79 = tpu.memref_slice %arg22[%mul3A_47] : memref<10240xf32, #tpu.memory_space<vmem_shared>> -> memref<640xf32, #tpu.memory_space<vmem_shared>>
      tpu.enqueue_dma source(%arg17 : memref<640xf32, #tpu.memory_space<vmem>>) target(%dma_start3A_79 : memref<640xf32, #tpu.memory_space<vmem_shared>>) target_semaphore(%run_scoped3A_78 : memref<!tpu.dma_semaphore, #tpu.memory_space<semaphore_mem>>)
      %dma_wait3A = tpu.memref_slice %arg22[%mul3A_47] : memref<10240xf32, #tpu.memory_space<vmem_shared>> -> memref<640xf32, #tpu.memory_space<vmem_shared>>
      %dma_wait3A_80 = tpu.memref_slice %arg22[%mul3A_47] : memref<10240xf32, #tpu.memory_space<vmem_shared>> -> memref<640xf32, #tpu.memory_space<vmem_shared>>
      tpu.wait_dma2 semaphore(%run_scoped3A_78 : memref<!tpu.dma_semaphore, #tpu.memory_space<semaphore_mem>>) src(%arg17 : memref<640xf32, #tpu.memory_space<vmem>>) dst(%dma_wait3A_80 : memref<640xf32, #tpu.memory_space<vmem_shared>>)
      tpu.yield
    }) : () -> ()
    %barrier3A_48 = arith.constant 0 : index
    tpu.barrier barrier_id(%barrier3A_48)
    "tpu.region"() ({
      %run_scoped3A_78 = tpu.sem_alloc : memref<!tpu.dma_semaphore, #tpu.memory_space<semaphore_mem>>
      tpu.enqueue_dma source(%arg22 : memref<10240xf32, #tpu.memory_space<vmem_shared>>) target(%arg10 : memref<10240xf32, #tpu.memory_space<vmem>>) target_semaphore(%run_scoped3A_78 : memref<!tpu.dma_semaphore, #tpu.memory_space<semaphore_mem>>)
      tpu.wait_dma2 semaphore(%run_scoped3A_78 : memref<!tpu.dma_semaphore, #tpu.memory_space<semaphore_mem>>) src(%arg22 : memref<10240xf32, #tpu.memory_space<vmem_shared>>) dst(%arg10 : memref<10240xf32, #tpu.memory_space<vmem>>)
      tpu.yield
    }) : () -> ()
    %parallel_loop3A_49 = arith.constant 0 : i32
    %parallel_loop3A_50 = arith.constant 640 : i32
    %parallel_loop3A_51 = arith.constant 1 : i32
    scf.for %parallel_loop3A_78 = %parallel_loop3A_49 to %parallel_loop3A_50 step %parallel_loop3A_51  : i32 {
      %parallel_loop3A_79 = arith.constant 0.000000e+00 : f32
      %parallel_loop3A_80 = vector.broadcast %parallel_loop3A_79 : f32 to vector<16xf32>
      %parallel_loop3A_81 = arith.constant 16 : i32
      %parallel_loop3A_82 = arith.muli %parallel_loop3A_78, %parallel_loop3A_81 : i32
      %parallel_loop3A_83 = arith.index_cast %parallel_loop3A_82 : i32 to index
      %parallel_loop3A_84 = tpu.vector_load %arg11[%parallel_loop3A_83] {strides = array<i32>} : memref<10240xf32, #tpu.memory_space<vmem>>, vector<16xf32>,
      tpu.vector_store %arg11[%parallel_loop3A_83], %parallel_loop3A_80 {strides = array<i32>} : memref<10240xf32, #tpu.memory_space<vmem>>, vector<16xf32>,
    } {sc.loop_unroll_factor = 8 : i64, sc.parallel_access}
    %parallel_loop3A_52 = arith.constant 0 : i32
    %parallel_loop3A_53 = arith.constant 1256 : i32
    %parallel_loop3A_54 = arith.constant 1 : i32
    scf.for %parallel_loop3A_78 = %parallel_loop3A_52 to %parallel_loop3A_53 step %parallel_loop3A_54  : i32 {
      %parallel_loop3A_79 = arith.constant 16 : i32
      %parallel_loop3A_80 = arith.muli %parallel_loop3A_78, %parallel_loop3A_79 : i32
      %parallel_loop3A_81 = arith.index_cast %parallel_loop3A_80 : i32 to index
      %parallel_loop3A_82 = tpu.vector_load %arg9[%parallel_loop3A_81] {strides = array<i32>} : memref<20096xi32, #tpu.memory_space<vmem>>, vector<16xi32>,
      %parallel_loop3A_83 = arith.constant 16 : i32
      %parallel_loop3A_84 = arith.muli %parallel_loop3A_78, %parallel_loop3A_83 : i32
      %parallel_loop3A_85 = arith.index_cast %parallel_loop3A_84 : i32 to index
      %parallel_loop3A_86 = tpu.vector_load %arg8[%parallel_loop3A_85] {strides = array<i32>} : memref<20096xi32, #tpu.memory_space<vmem>>, vector<16xi32>,
      %parallel_loop3A_87 = tpu.vector_load_idx %arg10[%parallel_loop3A_86] : memref<10240xf32, #tpu.memory_space<vmem>>[vector<16xi32>], vector<16xf32>,
      tpu.vector_store_idx %arg11[%parallel_loop3A_82], %parallel_loop3A_87 {add = true} : memref<10240xf32, #tpu.memory_space<vmem>>[vector<16xi32>], vector<16xf32>,
    } {sc.loop_unroll_factor = 8 : i64, sc.parallel_access}
    "tpu.region"() ({
      %run_scoped3A_78 = tpu.sem_alloc : memref<!tpu.dma_semaphore, #tpu.memory_space<semaphore_mem>>
      %dma_start3A = arith.constant 0 : i32
      %dma_start3A_79 = tpu.memref_slice %arg21[%arg1, %dma_start3A] : memref<16x10240xf32, #tpu.memory_space<vmem_shared>> -> memref<1x10240xf32, #tpu.memory_space<vmem_shared>>
      %dma_start3A_80 = tpu.memref_squeeze %dma_start3A_79 : memref<1x10240xf32, #tpu.memory_space<vmem_shared>> -> memref<10240xf32, #tpu.memory_space<vmem_shared>>
      %dma_start3A_81 = arith.constant 0 : i32
      %dma_start3A_82 = tpu.memref_slice %arg21[%arg1, %dma_start3A_81] : memref<16x10240xf32, #tpu.memory_space<vmem_shared>> -> memref<1x10240xf32, #tpu.memory_space<vmem_shared>>
      %dma_start3A_83 = tpu.memref_squeeze %dma_start3A_82 : memref<1x10240xf32, #tpu.memory_space<vmem_shared>> -> memref<10240xf32, #tpu.memory_space<vmem_shared>>
      tpu.enqueue_dma source(%arg11 : memref<10240xf32, #tpu.memory_space<vmem>>) target(%dma_start3A_83 : memref<10240xf32, #tpu.memory_space<vmem_shared>>) target_semaphore(%run_scoped3A_78 : memref<!tpu.dma_semaphore, #tpu.memory_space<semaphore_mem>>)
      %dma_wait3A = arith.constant 0 : i32
      %dma_wait3A_84 = tpu.memref_slice %arg21[%arg1, %dma_wait3A] : memref<16x10240xf32, #tpu.memory_space<vmem_shared>> -> memref<1x10240xf32, #tpu.memory_space<vmem_shared>>
      %dma_wait3A_85 = tpu.memref_squeeze %dma_wait3A_84 : memref<1x10240xf32, #tpu.memory_space<vmem_shared>> -> memref<10240xf32, #tpu.memory_space<vmem_shared>>
      %dma_wait3A_86 = arith.constant 0 : i32
      %dma_wait3A_87 = tpu.memref_slice %arg21[%arg1, %dma_wait3A_86] : memref<16x10240xf32, #tpu.memory_space<vmem_shared>> -> memref<1x10240xf32, #tpu.memory_space<vmem_shared>>
      %dma_wait3A_88 = tpu.memref_squeeze %dma_wait3A_87 : memref<1x10240xf32, #tpu.memory_space<vmem_shared>> -> memref<10240xf32, #tpu.memory_space<vmem_shared>>
      tpu.wait_dma2 semaphore(%run_scoped3A_78 : memref<!tpu.dma_semaphore, #tpu.memory_space<semaphore_mem>>) src(%arg11 : memref<10240xf32, #tpu.memory_space<vmem>>) dst(%dma_wait3A_88 : memref<10240xf32, #tpu.memory_space<vmem_shared>>)
      tpu.yield
    }) : () -> ()
    %barrier3A_55 = arith.constant 0 : index
    tpu.barrier barrier_id(%barrier3A_55)
    %mul3A_56 = arith.constant 640 : i32
    %mul3A_57 = arith.muli %arg1, %mul3A_56 : i32
    %run_scoped3A_58 = arith.constant 0 : i32
    "tpu.region"() ({
      %run_scoped3A_78 = tpu.sem_alloc : memref<!tpu.dma_semaphore, #tpu.memory_space<semaphore_mem>>
      %dma_start3A = tpu.memref_slice %arg21[%run_scoped3A_58, %mul3A_57] : memref<16x10240xf32, #tpu.memory_space<vmem_shared>> -> memref<1x640xf32, #tpu.memory_space<vmem_shared>>
      %dma_start3A_79 = tpu.memref_squeeze %dma_start3A : memref<1x640xf32, #tpu.memory_space<vmem_shared>> -> memref<640xf32, #tpu.memory_space<vmem_shared>>
      %dma_start3A_80 = tpu.memref_slice %arg21[%run_scoped3A_58, %mul3A_57] : memref<16x10240xf32, #tpu.memory_space<vmem_shared>> -> memref<1x640xf32, #tpu.memory_space<vmem_shared>>
      %dma_start3A_81 = tpu.memref_squeeze %dma_start3A_80 : memref<1x640xf32, #tpu.memory_space<vmem_shared>> -> memref<640xf32, #tpu.memory_space<vmem_shared>>
      tpu.enqueue_dma source(%dma_start3A_81 : memref<640xf32, #tpu.memory_space<vmem_shared>>) target(%arg13 : memref<640xf32, #tpu.memory_space<vmem>>) target_semaphore(%run_scoped3A_78 : memref<!tpu.dma_semaphore, #tpu.memory_space<semaphore_mem>>)
      %dma_wait3A = tpu.memref_slice %arg21[%run_scoped3A_58, %mul3A_57] : memref<16x10240xf32, #tpu.memory_space<vmem_shared>> -> memref<1x640xf32, #tpu.memory_space<vmem_shared>>
      %dma_wait3A_82 = tpu.memref_squeeze %dma_wait3A : memref<1x640xf32, #tpu.memory_space<vmem_shared>> -> memref<640xf32, #tpu.memory_space<vmem_shared>>
      %dma_wait3A_83 = tpu.memref_slice %arg21[%run_scoped3A_58, %mul3A_57] : memref<16x10240xf32, #tpu.memory_space<vmem_shared>> -> memref<1x640xf32, #tpu.memory_space<vmem_shared>>
      %dma_wait3A_84 = tpu.memref_squeeze %dma_wait3A_83 : memref<1x640xf32, #tpu.memory_space<vmem_shared>> -> memref<640xf32, #tpu.memory_space<vmem_shared>>
      tpu.wait_dma2 semaphore(%run_scoped3A_78 : memref<!tpu.dma_semaphore, #tpu.memory_space<semaphore_mem>>) src(%dma_wait3A_84 : memref<640xf32, #tpu.memory_space<vmem_shared>>) dst(%arg13 : memref<640xf32, #tpu.memory_space<vmem>>)
      tpu.yield
    }) : () -> ()
    %scan3A_59 = arith.constant 0 : i32
    %scan3A_60 = arith.constant 1 : i32
    %scan3A_61 = arith.constant 15 : i32
    %scan3A_62 = arith.addi %scan3A_60, %scan3A_61 : i32
    %scan3A_63 = arith.constant 1 : i32
    scf.for %scan3A_78 = %scan3A_60 to %scan3A_62 step %scan3A_63  : i32 {
      %mul3A_79 = arith.constant 640 : i32
      %mul3A_80 = arith.muli %arg1, %mul3A_79 : i32
      "tpu.region"() ({
        %run_scoped3A_84 = tpu.sem_alloc : memref<!tpu.dma_semaphore, #tpu.memory_space<semaphore_mem>>
        %dma_start3A = tpu.memref_slice %arg21[%scan3A_78, %mul3A_80] : memref<16x10240xf32, #tpu.memory_space<vmem_shared>> -> memref<1x640xf32, #tpu.memory_space<vmem_shared>>
        %dma_start3A_85 = tpu.memref_squeeze %dma_start3A : memref<1x640xf32, #tpu.memory_space<vmem_shared>> -> memref<640xf32, #tpu.memory_space<vmem_shared>>
        %dma_start3A_86 = tpu.memref_slice %arg21[%scan3A_78, %mul3A_80] : memref<16x10240xf32, #tpu.memory_space<vmem_shared>> -> memref<1x640xf32, #tpu.memory_space<vmem_shared>>
        %dma_start3A_87 = tpu.memref_squeeze %dma_start3A_86 : memref<1x640xf32, #tpu.memory_space<vmem_shared>> -> memref<640xf32, #tpu.memory_space<vmem_shared>>
        tpu.enqueue_dma source(%dma_start3A_87 : memref<640xf32, #tpu.memory_space<vmem_shared>>) target(%arg12 : memref<640xf32, #tpu.memory_space<vmem>>) target_semaphore(%run_scoped3A_84 : memref<!tpu.dma_semaphore, #tpu.memory_space<semaphore_mem>>)
        %dma_wait3A = tpu.memref_slice %arg21[%scan3A_78, %mul3A_80] : memref<16x10240xf32, #tpu.memory_space<vmem_shared>> -> memref<1x640xf32, #tpu.memory_space<vmem_shared>>
        %dma_wait3A_88 = tpu.memref_squeeze %dma_wait3A : memref<1x640xf32, #tpu.memory_space<vmem_shared>> -> memref<640xf32, #tpu.memory_space<vmem_shared>>
        %dma_wait3A_89 = tpu.memref_slice %arg21[%scan3A_78, %mul3A_80] : memref<16x10240xf32, #tpu.memory_space<vmem_shared>> -> memref<1x640xf32, #tpu.memory_space<vmem_shared>>
        %dma_wait3A_90 = tpu.memref_squeeze %dma_wait3A_89 : memref<1x640xf32, #tpu.memory_space<vmem_shared>> -> memref<640xf32, #tpu.memory_space<vmem_shared>>
        tpu.wait_dma2 semaphore(%run_scoped3A_84 : memref<!tpu.dma_semaphore, #tpu.memory_space<semaphore_mem>>) src(%dma_wait3A_90 : memref<640xf32, #tpu.memory_space<vmem_shared>>) dst(%arg12 : memref<640xf32, #tpu.memory_space<vmem>>)
        tpu.yield
      }) : () -> ()
      %parallel_loop3A_81 = arith.constant 0 : i32
      %parallel_loop3A_82 = arith.constant 40 : i32
      %parallel_loop3A_83 = arith.constant 1 : i32
      scf.for %parallel_loop3A_84 = %parallel_loop3A_81 to %parallel_loop3A_82 step %parallel_loop3A_83  : i32 {
        %parallel_loop3A_85 = arith.constant 16 : i32
        %parallel_loop3A_86 = arith.muli %parallel_loop3A_84, %parallel_loop3A_85 : i32
        %parallel_loop3A_87 = arith.index_cast %parallel_loop3A_86 : i32 to index
        %parallel_loop3A_88 = tpu.vector_load %arg13[%parallel_loop3A_87] {strides = array<i32>} : memref<640xf32, #tpu.memory_space<vmem>>, vector<16xf32>,
        %parallel_loop3A_89 = arith.index_cast %parallel_loop3A_86 : i32 to index
        %parallel_loop3A_90 = tpu.vector_load %arg12[%parallel_loop3A_89] {strides = array<i32>} : memref<640xf32, #tpu.memory_space<vmem>>, vector<16xf32>,
        %parallel_loop3A_91 = arith.addf %parallel_loop3A_88, %parallel_loop3A_90 : vector<16xf32>
        %parallel_loop3A_92 = arith.index_cast %parallel_loop3A_86 : i32 to index
        %parallel_loop3A_93 = tpu.vector_load %arg13[%parallel_loop3A_92] {strides = array<i32>} : memref<640xf32, #tpu.memory_space<vmem>>, vector<16xf32>,
        tpu.vector_store %arg13[%parallel_loop3A_92], %parallel_loop3A_91 {strides = array<i32>} : memref<640xf32, #tpu.memory_space<vmem>>, vector<16xf32>,
      } {sc.loop_unroll_factor = 8 : i64, sc.parallel_access}
    }
    %scan3A_64 = arith.constant 15 : i32
    %barrier3A_65 = arith.constant 0 : index
    tpu.barrier barrier_id(%barrier3A_65)
    %get3A_66 = arith.constant 16 : index
    %get3A_67 = tpu.vector_load %arg18[%get3A_66] {strides = array<i32>} : memref<32xf32, #tpu.memory_space<vmem>>, vector<16xf32>,
    %parallel_loop3A_68 = arith.constant 0 : i32
    %parallel_loop3A_69 = arith.constant 40 : i32
    %parallel_loop3A_70 = arith.constant 1 : i32
    scf.for %parallel_loop3A_78 = %parallel_loop3A_68 to %parallel_loop3A_69 step %parallel_loop3A_70  : i32 {
      %parallel_loop3A_79 = arith.constant 16 : i32
      %parallel_loop3A_80 = arith.muli %parallel_loop3A_78, %parallel_loop3A_79 : i32
      %parallel_loop3A_81 = arith.index_cast %parallel_loop3A_80 : i32 to index
      %parallel_loop3A_82 = tpu.vector_load %arg15[%parallel_loop3A_81] {strides = array<i32>} : memref<640xf32, #tpu.memory_space<vmem>>, vector<16xf32>,
      %parallel_loop3A_83 = arith.index_cast %parallel_loop3A_80 : i32 to index
      %parallel_loop3A_84 = tpu.vector_load %arg13[%parallel_loop3A_83] {strides = array<i32>} : memref<640xf32, #tpu.memory_space<vmem>>, vector<16xf32>,
      %parallel_loop3A_85 = arith.index_cast %parallel_loop3A_80 : i32 to index
      %parallel_loop3A_86 = tpu.vector_load %arg17[%parallel_loop3A_85] {strides = array<i32>} : memref<640xf32, #tpu.memory_space<vmem>>, vector<16xf32>,
      %parallel_loop3A_87 = arith.addf %parallel_loop3A_84, %parallel_loop3A_86 : vector<16xf32>
      %parallel_loop3A_88 = arith.mulf %parallel_loop3A_82, %parallel_loop3A_87 : vector<16xf32>
      %parallel_loop3A_89 = arith.addf %parallel_loop3A_88, %get3A_67 : vector<16xf32>
      %parallel_loop3A_90 = arith.index_cast %parallel_loop3A_80 : i32 to index
      %parallel_loop3A_91 = tpu.vector_load %arg16[%parallel_loop3A_90] {strides = array<i32>} : memref<640xf32, #tpu.memory_space<vmem>>, vector<16xf32>,
      tpu.vector_store %arg16[%parallel_loop3A_90], %parallel_loop3A_89 {strides = array<i32>} : memref<640xf32, #tpu.memory_space<vmem>>, vector<16xf32>,
    } {sc.loop_unroll_factor = 4 : i64, sc.parallel_access}
    %mul3A_71 = arith.constant 640 : i32
    %mul3A_72 = arith.muli %arg1, %mul3A_71 : i32
    "tpu.region"() ({
      %run_scoped3A_78 = tpu.sem_alloc : memref<!tpu.dma_semaphore, #tpu.memory_space<semaphore_mem>>
      %dma_start3A = tpu.memref_slice %arg22[%mul3A_72] : memref<10240xf32, #tpu.memory_space<vmem_shared>> -> memref<640xf32, #tpu.memory_space<vmem_shared>>
      %dma_start3A_79 = tpu.memref_slice %arg22[%mul3A_72] : memref<10240xf32, #tpu.memory_space<vmem_shared>> -> memref<640xf32, #tpu.memory_space<vmem_shared>>
      tpu.enqueue_dma source(%arg16 : memref<640xf32, #tpu.memory_space<vmem>>) target(%dma_start3A_79 : memref<640xf32, #tpu.memory_space<vmem_shared>>) target_semaphore(%run_scoped3A_78 : memref<!tpu.dma_semaphore, #tpu.memory_space<semaphore_mem>>)
      %dma_wait3A = tpu.memref_slice %arg22[%mul3A_72] : memref<10240xf32, #tpu.memory_space<vmem_shared>> -> memref<640xf32, #tpu.memory_space<vmem_shared>>
      %dma_wait3A_80 = tpu.memref_slice %arg22[%mul3A_72] : memref<10240xf32, #tpu.memory_space<vmem_shared>> -> memref<640xf32, #tpu.memory_space<vmem_shared>>
      tpu.wait_dma2 semaphore(%run_scoped3A_78 : memref<!tpu.dma_semaphore, #tpu.memory_space<semaphore_mem>>) src(%arg16 : memref<640xf32, #tpu.memory_space<vmem>>) dst(%dma_wait3A_80 : memref<640xf32, #tpu.memory_space<vmem_shared>>)
      tpu.yield
    }) : () -> ()
    %barrier3A_73 = arith.constant 0 : index
    tpu.barrier barrier_id(%barrier3A_73)
    %eq3A = arith.constant 0 : i32
    %eq3A_74 = arith.cmpi eq, %arg1, %eq3A : i32
    %eq3A_75 = arith.constant 0 : i32
    %eq3A_76 = arith.cmpi eq, %arg0, %eq3A_75 : i32
    %and3A = arith.andi %eq3A_74, %eq3A_76 : i1
    %convert_element_type3A = arith.extui %and3A : i1 to i32
    %cond3A = arith.constant 0 : i32
    %cond3A_77 = arith.cmpi ne, %convert_element_type3A, %cond3A : i32
    scf.if %cond3A_77 {
      "tpu.region"() ({
        %run_scoped3A_102 = tpu.sem_alloc : memref<!tpu.dma_semaphore, #tpu.memory_space<semaphore_mem>>
        tpu.enqueue_dma source(%arg22 : memref<10240xf32, #tpu.memory_space<vmem_shared>>) target(%arg10 : memref<10240xf32, #tpu.memory_space<vmem>>) target_semaphore(%run_scoped3A_102 : memref<!tpu.dma_semaphore, #tpu.memory_space<semaphore_mem>>)
        tpu.wait_dma2 semaphore(%run_scoped3A_102 : memref<!tpu.dma_semaphore, #tpu.memory_space<semaphore_mem>>) src(%arg22 : memref<10240xf32, #tpu.memory_space<vmem_shared>>) dst(%arg10 : memref<10240xf32, #tpu.memory_space<vmem>>)
        tpu.yield
      }) : () -> ()
      "tpu.region"() ({
        %run_scoped3A_102 = tpu.sem_alloc : memref<!tpu.dma_semaphore, #tpu.memory_space<semaphore_mem>>
        tpu.enqueue_dma source(%arg5 : memref<6000xi32, #tpu.memory_space<hbm>>) target(%arg19 : memref<6000xi32, #tpu.memory_space<vmem>>) target_semaphore(%run_scoped3A_102 : memref<!tpu.dma_semaphore, #tpu.memory_space<semaphore_mem>>)
        tpu.wait_dma2 semaphore(%run_scoped3A_102 : memref<!tpu.dma_semaphore, #tpu.memory_space<semaphore_mem>>) src(%arg5 : memref<6000xi32, #tpu.memory_space<hbm>>) dst(%arg19 : memref<6000xi32, #tpu.memory_space<vmem>>)
        tpu.yield
      }) : () -> ()
      %broadcast_in_dim3A_78 = arith.constant -1.000000e+30 : f32
      %broadcast_in_dim3A_79 = vector.broadcast %broadcast_in_dim3A_78 : f32 to vector<16xf32>
      %parallel_loop3A_80 = arith.constant 0 : i32
      %parallel_loop3A_81 = arith.constant 375 : i32
      %parallel_loop3A_82 = arith.constant 1 : i32
      %parallel_loop3A_83 = scf.for %parallel_loop3A_102 = %parallel_loop3A_80 to %parallel_loop3A_81 step %parallel_loop3A_82 iter_args(%parallel_loop3A_103 = %broadcast_in_dim3A_79) -> (vector<16xf32>)  : i32 {
        %parallel_loop3A_104 = arith.constant 16 : i32
        %parallel_loop3A_105 = arith.muli %parallel_loop3A_102, %parallel_loop3A_104 : i32
        %parallel_loop3A_106 = arith.index_cast %parallel_loop3A_105 : i32 to index
        %parallel_loop3A_107 = tpu.vector_load %arg19[%parallel_loop3A_106] {strides = array<i32>} : memref<6000xi32, #tpu.memory_space<vmem>>, vector<16xi32>,
        %parallel_loop3A_108 = tpu.vector_load_idx %arg10[%parallel_loop3A_107] : memref<10240xf32, #tpu.memory_space<vmem>>[vector<16xi32>], vector<16xf32>,
        %parallel_loop3A_109 = arith.constant 16 : i32
        %parallel_loop3A_110 = arith.muli %parallel_loop3A_102, %parallel_loop3A_109 : i32
        %parallel_loop3A_111 = arith.index_cast %parallel_loop3A_110 : i32 to index
        %parallel_loop3A_112 = tpu.vector_load %arg20[%parallel_loop3A_111] {strides = array<i32>} : memref<6000xf32, #tpu.memory_space<vmem>>, vector<16xf32>,
        tpu.vector_store %arg20[%parallel_loop3A_111], %parallel_loop3A_108 {strides = array<i32>} : memref<6000xf32, #tpu.memory_space<vmem>>, vector<16xf32>,
        %parallel_loop3A_113 = arith.maximumf %parallel_loop3A_103, %parallel_loop3A_108 : vector<16xf32>
        scf.yield %parallel_loop3A_113 : vector<16xf32>
      } {sc.loop_unroll_factor = 8 : i64, sc.parallel_access}
      %reduce_max3A = arith.constant true
      %reduce_max3A_84 = vector.broadcast %reduce_max3A : i1 to vector<16xi1>
      %reduce_max3A_85 = tpu.scan <max>, %parallel_loop3A_83 masked %reduce_max3A_84 : vector<16xf32>, vector<16xi1> -> vector<16xf32>
      %reduce_max3A_86 = vector.extract %reduce_max3A_85[15] : f32 from vector<16xf32>
      %broadcast_in_dim3A_87 = arith.constant 0.000000e+00 : f32
      %broadcast_in_dim3A_88 = vector.broadcast %broadcast_in_dim3A_87 : f32 to vector<16xf32>
      %parallel_loop3A_89 = arith.constant 0 : i32
      %parallel_loop3A_90 = arith.constant 375 : i32
      %parallel_loop3A_91 = arith.constant 1 : i32
      %parallel_loop3A_92 = scf.for %parallel_loop3A_102 = %parallel_loop3A_89 to %parallel_loop3A_90 step %parallel_loop3A_91 iter_args(%parallel_loop3A_103 = %broadcast_in_dim3A_88) -> (vector<16xf32>)  : i32 {
        %parallel_loop3A_104 = arith.constant 16 : i32
        %parallel_loop3A_105 = arith.muli %parallel_loop3A_102, %parallel_loop3A_104 : i32
        %parallel_loop3A_106 = arith.index_cast %parallel_loop3A_105 : i32 to index
        %parallel_loop3A_107 = tpu.vector_load %arg20[%parallel_loop3A_106] {strides = array<i32>} : memref<6000xf32, #tpu.memory_space<vmem>>, vector<16xf32>,
        %parallel_loop3A_108 = vector.broadcast %reduce_max3A_86 : f32 to vector<16xf32>
        %parallel_loop3A_109 = arith.subf %parallel_loop3A_107, %parallel_loop3A_108 : vector<16xf32>
        %parallel_loop3A_110 = math.exp %parallel_loop3A_109 : vector<16xf32>
        %parallel_loop3A_111 = arith.index_cast %parallel_loop3A_105 : i32 to index
        %parallel_loop3A_112 = tpu.vector_load %arg20[%parallel_loop3A_111] {strides = array<i32>} : memref<6000xf32, #tpu.memory_space<vmem>>, vector<16xf32>,
        tpu.vector_store %arg20[%parallel_loop3A_111], %parallel_loop3A_110 {strides = array<i32>} : memref<6000xf32, #tpu.memory_space<vmem>>, vector<16xf32>,
        %parallel_loop3A_113 = arith.addf %parallel_loop3A_103, %parallel_loop3A_110 : vector<16xf32>
        scf.yield %parallel_loop3A_113 : vector<16xf32>
      } {sc.loop_unroll_factor = 8 : i64, sc.parallel_access}
      %broadcast_in_dim3A_93 = arith.constant 1.000000e+00 : f32
      %broadcast_in_dim3A_94 = vector.broadcast %broadcast_in_dim3A_93 : f32 to vector<16xf32>
      %reduce_sum3A = arith.constant true
      %reduce_sum3A_95 = vector.broadcast %reduce_sum3A : i1 to vector<16xi1>
      %reduce_sum3A_96 = tpu.scan <sum>, %parallel_loop3A_92 masked %reduce_sum3A_95 : vector<16xf32>, vector<16xi1> -> vector<16xf32>
      %reduce_sum3A_97 = vector.extract %reduce_sum3A_96[15] : f32 from vector<16xf32>
      %broadcast_in_dim3A_98 = vector.broadcast %reduce_sum3A_97 : f32 to vector<16xf32>
      %div3A = arith.divf %broadcast_in_dim3A_94, %broadcast_in_dim3A_98 : vector<16xf32>
      %parallel_loop3A_99 = arith.constant 0 : i32
      %parallel_loop3A_100 = arith.constant 375 : i32
      %parallel_loop3A_101 = arith.constant 1 : i32
      scf.for %parallel_loop3A_102 = %parallel_loop3A_99 to %parallel_loop3A_100 step %parallel_loop3A_101  : i32 {
        %parallel_loop3A_103 = arith.constant 16 : i32
        %parallel_loop3A_104 = arith.muli %parallel_loop3A_102, %parallel_loop3A_103 : i32
        %parallel_loop3A_105 = arith.index_cast %parallel_loop3A_104 : i32 to index
        %parallel_loop3A_106 = tpu.vector_load %arg20[%parallel_loop3A_105] {strides = array<i32>} : memref<6000xf32, #tpu.memory_space<vmem>>, vector<16xf32>,
        %parallel_loop3A_107 = arith.mulf %parallel_loop3A_106, %div3A : vector<16xf32>
        %parallel_loop3A_108 = arith.index_cast %parallel_loop3A_104 : i32 to index
        %parallel_loop3A_109 = tpu.vector_load %arg20[%parallel_loop3A_108] {strides = array<i32>} : memref<6000xf32, #tpu.memory_space<vmem>>, vector<16xf32>,
        tpu.vector_store %arg20[%parallel_loop3A_108], %parallel_loop3A_107 {strides = array<i32>} : memref<6000xf32, #tpu.memory_space<vmem>>, vector<16xf32>,
      } {sc.loop_unroll_factor = 8 : i64, sc.parallel_access}
      "tpu.region"() ({
        %run_scoped3A_102 = tpu.sem_alloc : memref<!tpu.dma_semaphore, #tpu.memory_space<semaphore_mem>>
        tpu.enqueue_dma source(%arg20 : memref<6000xf32, #tpu.memory_space<vmem>>) target(%arg7 : memref<6000xf32, #tpu.memory_space<hbm>>) target_semaphore(%run_scoped3A_102 : memref<!tpu.dma_semaphore, #tpu.memory_space<semaphore_mem>>)
        tpu.wait_dma2 semaphore(%run_scoped3A_102 : memref<!tpu.dma_semaphore, #tpu.memory_space<semaphore_mem>>) src(%arg20 : memref<6000xf32, #tpu.memory_space<vmem>>) dst(%arg7 : memref<6000xf32, #tpu.memory_space<hbm>>)
        tpu.yield
      }) : () -> ()
    } else {
    }
    return
  }
}

module attributes {stable_mosaic.version = 14 : i64} {
  func.func @_dense_body(%arg0: memref<10000x128xf32, #tpu.memory_space<vmem>>, %arg1: memref<128x128xf32, #tpu.memory_space<vmem>>, %arg2: memref<128x128xf32, #tpu.memory_space<vmem>>, %arg3: memref<128x1xf32, #tpu.memory_space<vmem>>, %arg4: memref<1x128xf32, #tpu.memory_space<vmem>>, %arg5: memref<1x128xf32, #tpu.memory_space<vmem>>, %arg6: memref<1x1xf32, #tpu.memory_space<vmem>>, %arg7: memref<10000x1xf32, #tpu.memory_space<vmem>>, %arg8: memref<2x128xf32, #tpu.memory_space<vmem>>) attributes {dimension_semantics = [], scalar_prefetch = 0 : i64, scratch_operands = 0 : i64, tpu.core_type = #tpu.core_type<tc>} {
    %get3A = arith.constant 0 : index
    %get3A_0 = arith.constant 0 : index
    %get3A_1 = vector.load %arg2[%get3A, %get3A_0] : memref<128x128xf32, #tpu.memory_space<vmem>>, vector<128x128xf32>
    %get3A_2 = arith.constant 0 : index
    %get3A_3 = arith.constant 0 : index
    %get3A_4 = vector.load %arg3[%get3A_2, %get3A_3] : memref<128x1xf32, #tpu.memory_space<vmem>>, vector<128x1xf32>
    %dot_general3A = arith.constant dense<0.000000e+00> : vector<128x1xf32>
    %dot_general3A_5 = tpu.matmul %get3A_1, %get3A_4, %dot_general3A {dimension_numbers = #tpu.dot_dimension_numbers<[1], [0], [0], [1], [0, 0, 1, 1], [], []>, transpose_lhs_hint = false} : vector<128x128xf32>, vector<128x1xf32>, vector<128x1xf32> -> vector<128x1xf32>
    %get3A_6 = arith.constant 0 : index
    %get3A_7 = arith.constant 0 : index
    %get3A_8 = vector.load %arg1[%get3A_6, %get3A_7] : memref<128x128xf32, #tpu.memory_space<vmem>>, vector<128x128xf32>
    %dot_general3A_9 = arith.constant dense<0.000000e+00> : vector<128x1xf32>
    %dot_general3A_10 = tpu.matmul %get3A_8, %dot_general3A_5, %dot_general3A_9 {dimension_numbers = #tpu.dot_dimension_numbers<[1], [0], [0], [1], [0, 0, 1, 1], [], []>, transpose_lhs_hint = false} : vector<128x128xf32>, vector<128x1xf32>, vector<128x1xf32> -> vector<128x1xf32>
    %get3A_11 = arith.constant 0 : index
    %get3A_12 = arith.constant 0 : index
    %get3A_13 = vector.load %arg0[%get3A_11, %get3A_12] : memref<10000x128xf32, #tpu.memory_space<vmem>>, vector<10000x128xf32>
    %dot_general3A_14 = arith.constant dense<0.000000e+00> : vector<10000x1xf32>
    %dot_general3A_15 = tpu.matmul %get3A_13, %dot_general3A_10, %dot_general3A_14 {dimension_numbers = #tpu.dot_dimension_numbers<[1], [0], [0], [1], [0, 0, 1, 1], [], []>, transpose_lhs_hint = false} : vector<10000x128xf32>, vector<128x1xf32>, vector<10000x1xf32> -> vector<10000x1xf32>
    %swap3A = arith.constant 0 : index
    %swap3A_16 = arith.constant 0 : index
    %swap3A_17 = vector.load %arg7[%swap3A, %swap3A_16] : memref<10000x1xf32, #tpu.memory_space<vmem>>, vector<10000x1xf32>
    tpu.vector_store %arg7[%swap3A, %swap3A_16], %dot_general3A_15 {strides = array<i32>} : memref<10000x1xf32, #tpu.memory_space<vmem>>, vector<10000x1xf32>,
    %get3A_18 = arith.constant 0 : index
    %get3A_19 = arith.constant 0 : index
    %get3A_20 = vector.load %arg4[%get3A_18, %get3A_19] : memref<1x128xf32, #tpu.memory_space<vmem>>, vector<1x128xf32>
    %dot_general3A_21 = arith.constant dense<0.000000e+00> : vector<1x1xf32>
    %dot_general3A_22 = tpu.matmul %get3A_20, %dot_general3A_5, %dot_general3A_21 {dimension_numbers = #tpu.dot_dimension_numbers<[1], [0], [0], [1], [0, 0, 1, 1], [], []>, transpose_lhs_hint = false} : vector<1x128xf32>, vector<128x1xf32>, vector<1x1xf32> -> vector<1x1xf32>
    %get3A_23 = arith.constant 0 : index
    %get3A_24 = arith.constant 0 : index
    %get3A_25 = vector.load %arg5[%get3A_23, %get3A_24] : memref<1x128xf32, #tpu.memory_space<vmem>>, vector<1x128xf32>
    %get3A_26 = arith.constant 0 : index
    %get3A_27 = arith.constant 0 : index
    %get3A_28 = vector.load %arg3[%get3A_26, %get3A_27] : memref<128x1xf32, #tpu.memory_space<vmem>>, vector<128x1xf32>
    %dot_general3A_29 = arith.constant dense<0.000000e+00> : vector<1x1xf32>
    %dot_general3A_30 = tpu.matmul %get3A_25, %get3A_28, %dot_general3A_29 {dimension_numbers = #tpu.dot_dimension_numbers<[1], [0], [0], [1], [0, 0, 1, 1], [], []>, transpose_lhs_hint = false} : vector<1x128xf32>, vector<128x1xf32>, vector<1x1xf32> -> vector<1x1xf32>
    %get3A_31 = arith.constant 0 : index
    %get3A_32 = arith.constant 0 : index
    %get3A_33 = vector.load %arg6[%get3A_31, %get3A_32] : memref<1x1xf32, #tpu.memory_space<vmem>>, vector<1x1xf32>
    %add3A = arith.addf %dot_general3A_30, %get3A_33 : vector<1x1xf32>
    %broadcast_in_dim3A = vector.shape_cast %dot_general3A_22 : vector<1x1xf32> to vector<1x1xf32>
    %broadcast_in_dim3A_34 = vector.broadcast %broadcast_in_dim3A : vector<1x1xf32> to vector<1x128xf32>
    %broadcast_in_dim3A_35 = vector.shape_cast %add3A : vector<1x1xf32> to vector<1x1xf32>
    %broadcast_in_dim3A_36 = vector.broadcast %broadcast_in_dim3A_35 : vector<1x1xf32> to vector<1x128xf32>
    %concatenate3A = tpu.concatenate %broadcast_in_dim3A_34, %broadcast_in_dim3A_36 in 0 : vector<1x128xf32>, vector<1x128xf32> -> vector<2x128xf32>
    %swap3A_37 = arith.constant 0 : index
    %swap3A_38 = arith.constant 0 : index
    %swap3A_39 = vector.load %arg8[%swap3A_37, %swap3A_38] : memref<2x128xf32, #tpu.memory_space<vmem>>, vector<2x128xf32>
    tpu.vector_store %arg8[%swap3A_37, %swap3A_38], %concatenate3A {strides = array<i32>} : memref<2x128xf32, #tpu.memory_space<vmem>>, vector<2x128xf32>,
    return
  }
}

</mosaic_0001>

<sc_bundles>
// kernel: kernel.4.cloned.1.call-start
scs
__scs_entry_jumppad:
0x0: {  	(pc) =	sbr.rel $0x88, $3  }
0x1: {  	(tag) =	ssettag $0x0;
	lr =	simm.s32 $0x1  }
0x2: {  	[smem:$0x3F96] =	sst lr;
	_ =	strace $0xD0000000  }
0x3: {  	_ = 	snop  }
0x4: {  	_ = 	snop  }
0x5: {  	_ = 	snop  }
0x6: {  	_ = 	snop  }
0x7: {  	_ = 	snop  }
__scs_overlays_trampoline_lowered:
0x8: {  	[smem:$0x3FA5] =	sst s0  }
0x9: {  	[smem:$0x3FA6] =	sst s1  }
0xa: {  	[smem:$0x3FA7] =	sst s2  }
0xb: {  	[smem:$0x3FA8] =	sst s3  }
0xc: {  	[smem:$0x3FA9] =	sst s4  }
0xd: {  	[smem:$0x3FAA] =	sst s5  }
0xe: {  	[smem:$0x3FAB] =	sst s6  }
0xf: {  	[smem:$0x3FAC] =	sst s7  }
0x10: {  	[smem:$0x3FAD] =	sst s8  }
0x11: {  	[smem:$0x3FAE] =	sst s9;
	s0 =	simm.s32 @!p0 $0x0  }
0x12: {  	s1 =	sld [smem:$0x3F94];
	s0 =	simm.s32 @p0 $0x1  }
0x13: {  	[smem:$0x3FAF] =	sst s0;
	s0 =	simm.s32 @!p1 $0x0  }
0x14: {  	s2 =	sld [smem:$0x3F93];
	s0 =	simm.s32 @p1 $0x1  }
0x15: {  	[smem:$0x3FB0] =	sst s0;
	s0 =	simm.s32 @!p2 $0x0  }
0x16: {  	s3 =	sld [smem:$0x3FDB];
	s0 =	simm.s32 @p2 $0x1  }
0x17: {  	s4 =	simm.s32 $0x1BF5;
	[smem:$0x3FB2] =	sst s0  }
0x18: {  	s0 =	sld [smem:$0x3F95];
	_ =	swait.ge [sflag:s4], $0x0  }
0x19: {  	s7 =	sld [smem:$0x3F96]  }
0x1a: {  	s8 =	sadd.s32 $0xFFFFE003, lr  }
0x1b: {  	s9 =	sadd.s32 $0xFFFFFEF7, lr;
	s5 =	simm.s32 $0xFFFFFFFF;
	p2 =	slt.u32 s8, $0xFFFFF086  }
0x1c: {  	p1 =	slt.u32 s9, $0xF7A;
	s5 =	simm.s32 @!p2 $0x0  }
0x1d: {  	s5 =	simm.s32 @p1 $0x1;
	p0 =	seq.s32 s7, s2  }
0x1e: {  	s7 =	smul.u32 @!p0 $0xF7A, s2;
	p2 =	seq.s32 @!p0 s5, $0x0  }
0x1f: {  	s9 =	smul.u32 $0xF7A, s1;
	s8 =	simm.s32 @!p0 $0x1BF5;
	p2 =	por !p2, p0  }
0x20: {  	[sflag:s8] =	ssyncset.s32 @!p0 $0xFFFFF086;
	s6 =	sadd.s32 @!p0 s3, s7;
	s7 =	simm.s32 @!p0 $0x108  }
0x21: {  	s3 =	sadd.s32 s3, s9;
	s6 =	sadd.s32 @!p0 $0x88, s6;
	s7 =	simm.s32 @p2 $0x1082  }
0x22: {  	[simem:s7], [sflag:s8] =	dma.local @!p0 [hbm:s6], $0xF7A  }
0x23: {  	s9 =	sor.u32 $0xD0000000, s2;
	s6 =	simm.s32 $0x108;
	_ =	swait.ge @!p0 [sflag:s8], $0x0  }
0x24: {  	s3 =	sadd.s32 $0x88, s3;
	s6 =	simm.s32 @!p1 $0x1082;
	[sflag:s4] =	ssyncset.s32 $0xFFFFF086  }
0x25: {  	[simem:s6], [sflag:s4] =	dma.local [hbm:s3], $0xF7A  }
0x26: {  	[smem:$0x3F96] =	sst s1;
	(tag) =	ssettag s2;
	_ =	strace s9  }
0x27: {  	s1 =	sld [smem:$0x3FA6]  }
0x28: {  	s2 =	sld [smem:$0x3FA7]  }
0x29: {  	s4 =	sld [smem:$0x3FA9]  }
0x2a: {  	p0 =	seq.s32 s5, $0x0;
	s5 =	sld [smem:$0x3FAA]  }
0x2b: {  	s6 =	sld [smem:$0x3FAB]  }
0x2c: {  	s7 =	sld [smem:$0x3FAC]  }
0x2d: {  	s3 =	simm.s32 $0x108;
	s8 =	sld [smem:$0x3FAD]  }
0x2e: {  	s3 =	simm.s32 @!p0 $0x1082;
	s9 =	sld [smem:$0x3FAE]  }
0x2f: {  	lr =	sadd.s32 s0, s3;
	s0 =	sld [smem:$0x3FA5]  }
0x30: {  	s3 =	sld [smem:$0x3FA8]  }
0x31: {  	[smem:$0x3FB1] =	sst s10  }
0x32: {  	s10 =	sld [smem:$0x3FAF];
	_ =	sdelay $0x3  }
0x33: {  	p0 =	seq.s32 s10, $0x1;
	s10 =	sld [smem:$0x3FB1];
	_ =	sdelay $0x3  }
0x34: {  	[smem:$0x3FB1] =	sst s10  }
0x35: {  	s10 =	sld [smem:$0x3FB0];
	_ =	sdelay $0x3  }
0x36: {  	p1 =	seq.s32 s10, $0x1;
	s10 =	sld [smem:$0x3FB1];
	_ =	sdelay $0x3  }
0x37: {  	[smem:$0x3FB1] =	sst s10  }
0x38: {  	s10 =	sld [smem:$0x3FB2]  }
0x39: {  	_ = 	snop;
	(pc) =	sbr.ind lr, $3  }
0x3a: {  	_ = 	snop  }
0x3b: {  	_ = 	snop  }
0x3c: {  	p2 =	seq.s32 s10, $0x1;
	s10 =	sld [smem:$0x3FB1]  }
0x3d: {  	_ =	shalt  }
0x3e: {  	_ =	shalt  }
0x3f: {  	_ =	shalt  }
0x40: {  	_ =	shalt  }
0x41: {  	_ =	shalt  }
0x42: {  	_ =	shalt  }
0x43: {  	_ =	shalt  }
0x44: {  	_ =	shalt  }
0x45: {  	_ =	shalt  }
0x46: {  	_ =	shalt  }
0x47: {  	_ =	shalt  }
0x48: {  	_ =	shalt  }
0x49: {  	_ =	shalt  }
0x4a: {  	_ =	shalt  }
0x4b: {  	_ =	shalt  }
0x4c: {  	_ =	shalt  }
0x4d: {  	_ =	shalt  }
0x4e: {  	_ =	shalt  }
0x4f: {  	_ =	shalt  }
0x50: {  	_ =	shalt  }
0x51: {  	_ =	shalt  }
0x52: {  	_ =	shalt  }
0x53: {  	_ =	shalt  }
0x54: {  	_ =	shalt  }
0x55: {  	_ =	shalt  }
0x56: {  	_ =	shalt  }
0x57: {  	_ =	shalt  }
0x58: {  	_ =	shalt  }
0x59: {  	_ =	shalt  }
0x5a: {  	_ =	shalt  }
0x5b: {  	_ =	shalt  }
0x5c: {  	_ =	shalt  }
0x5d: {  	_ =	shalt  }
0x5e: {  	_ =	shalt  }
0x5f: {  	_ =	shalt  }
0x60: {  	_ =	shalt  }
0x61: {  	_ =	shalt  }
0x62: {  	_ =	shalt  }
0x63: {  	_ =	shalt  }
0x64: {  	_ =	shalt  }
0x65: {  	_ =	shalt  }
0x66: {  	_ =	shalt  }
0x67: {  	_ =	shalt  }
0x68: {  	_ =	shalt  }
0x69: {  	_ =	shalt  }
0x6a: {  	_ =	shalt  }
0x6b: {  	_ =	shalt  }
0x6c: {  	_ =	shalt  }
0x6d: {  	_ =	shalt  }
0x6e: {  	_ =	shalt  }
0x6f: {  	_ =	shalt  }
0x70: {  	_ =	shalt  }
0x71: {  	_ =	shalt  }
0x72: {  	_ =	shalt  }
0x73: {  	_ =	shalt  }
0x74: {  	_ =	shalt  }
0x75: {  	_ =	shalt  }
0x76: {  	_ =	shalt  }
0x77: {  	_ =	shalt  }
0x78: {  	_ =	shalt  }
0x79: {  	_ =	shalt  }
0x7a: {  	_ =	shalt  }
0x7b: {  	_ =	shalt  }
0x7c: {  	_ =	shalt  }
0x7d: {  	_ =	shalt  }
0x7e: {  	_ =	shalt  }
0x7f: {  	_ =	shalt  }
0x80: {  	_ =	shalt  }
0x81: {  	_ =	shalt  }
0x82: {  	_ =	shalt  }
0x83: {  	_ =	shalt  }
0x84: {  	_ =	shalt  }
0x85: {  	_ =	shalt  }
0x86: {  	_ =	shalt  }
0x87: {  	_ =	shalt  }
.Lfunc_end0:
.L_simem_size_0:
called_computation_lowered:
.L_overlay_start_0:
0x88: {  	s2 =	sld [smem:$0x3FD9]  }
0x89: {  	s3 =	sld [smem:$0x3FFE];
	_ =	sdelay $0x1  }
0x8a: {  	s1 =	srdreg.scid  }
0x8b: {  	s0 =	sand.u32 $0x1, s1  }
0x8c: {  	s17 =	sshll.u32 s0, $0xA;
	s2 =	sadd.s32 s3, s2  }
0x8d: {  	s2 =	sadd.s32 s2, s17  }
0x8e: {  	[smem:$0x3FBD] =	sst s2  }
0x8f: {  	_ = 	snop  }
0x90: {  	s2 =	sld [smem:$0x3FC9]  }
0x91: {  	s18 =	sld [smem:$0x3FD0];
	(tm) =	ssettm $0x1  }
0x92: {  	s4 =	sld [smem:$0x3FFB];
	_ =	sdelay $0x3  }
0x93: {  	_ =	strace s4  }
0x94: {  	s4 =	sld [smem:$0x3FFC];
	_ =	sdelay $0x3  }
0x95: {  	_ =	strace s4  }
0x96: {  	s4 =	sld [smem:$0x3FFD];
	_ =	sdelay $0x3  }
0x97: {  	_ =	strace s4  }
0x98: {  	_ =	strace $0x8FFFFFFF  }
0x99: {  	s19 =	sld [smem:$0x3FDB];
	_ =	sdelay $0x1  }
0x9a: {  	s5 =	simm.s32 $_scs_section_size  }
0x9b: {  	s6 =	simm.s32 $_size__tile_overlayer_lowered;
	s7 =	simm.s32 $_tile_overlayer_lowered  }
0x9c: {  	s22 =	simm.s32 $0x1BFF;
	s21 =	sshll.u32 s7, $0x1;
	s4 =	sadd.s32 s5, s19  }
0x9d: {  	s8 =	simm.s32 $0x0;
	s20 =	sshll.u32 s6, $0x1;
	s6 =	sadd.s32 s21, s4  }
0x9e: {  	[timem:s8], [sflag:s22] =	dma.local [hbm:s6], s20  }
0x9f: {  	_ =	swait.ge [sflag:s22], s20  }
0xa0: {  	s5 =	ssub.s32 $0x0, s20;
	[sflag:s22] =	ssyncset.done $0x0  }
0xa1: {  	[sflag:s22] =	ssyncadd.s32 s5;
	_ =	sdelay $0x1  }
0xa2: {  	s23 =	simm.s32 $0x1B8B  }
0xa3: {  	_ =	swait.ge [sflag:s23], $0x1  }
0xa4: {  	[sflag:s23] =	ssyncset.done $0x0  }
0xa5: {  	s25 =	simm.s32 $0x1B8E;
	s24 =	sld [smem:$0x3FFE];
	[sflag:s23] =	ssyncadd.s32 $0xFFFFFFFF  }
0xa6: {  	s26 =	simm.s32 $execute0_lowered;
	[smem:$0x3FD2] =	sst s25  }
0xa7: {  	s6 =	sshll.u32 s26, $0x1;
	_ =	strace $0x80000046;
	[dreg:$0x1] =	wrdreg $0xFFFFFFFF  }
0xa8: {  	s28 =	simm.s32 $_size_execute0_lowered;
	s4 =	sadd.s32 s4, s6;
	[dreg:$0x0] =	wrdreg $0x0  }
0xa9: {  	s6 =	sshll.u32 s28, $0x1;
	[dreg:$0x2] =	wrdreg s4  }
0xaa: {  	[dreg:$0x3] =	wrdreg s6  }
0xab: {  	[dreg:$0x4] =	wrdreg $0xC0  }
0xac: {  	_ =	task [dreg:s8], $0x5FFFF  }
0xad: {  	[dreg:$0x1] =	wrdreg $0xFFFFFFFF  }
0xae: {  	[dreg:$0x0] =	wrdreg $0x60  }
0xaf: {  	[dreg:$0x2] =	wrdreg s24  }
0xb0: {  	[dreg:$0x3] =	wrdreg s2  }
0xb1: {  	[dreg:$0x4] =	wrdreg s18  }
0xb2: {  	[dreg:$0x5] =	wrdreg $0x12B800  }
0xb3: {  	[dreg:$0x6] =	wrdreg $0x153800  }
0xb4: {  	[dreg:$0x7] =	wrdreg $0x9  }
0xb5: {  	_ =	task.clear_ibuf [dreg:s8], $0x8FFFF;
	_ =	strace $0x90000046  }
0xb6: {  	s29 =	simm.s32 $0x9;
	_ =	strace $0x80000048  }
0xb7: {  	_ =	swait.ge [sflag:s29], $0x1  }
0xb8: {  	[sflag:s29] =	ssyncadd.s32 $0xFFFFFFFF  }
0xb9: {  	_ =	strace $0x90000048  }
0xba: {  	_ =	sfence  }
0xbb: {  	s30 =	sld [smem:$0x0];
	_ =	sdelay $0x2  }
0xbc: {  	s31 =	sshll.u32 s1, $0xD;
	s1 =	sshrl.u32 s1, $0x2  }
0xbd: {  	s3 =	sand.u32 $0x4000, s31;
	s1 =	sadd.s32 s1, s30  }
0xbe: {  	s0 =	sor.u32 s3, s0;
	s1 =	sshll.u32 s1, $0x11  }
0xbf: {  	s0 =	sor.u32 s1, s0  }
0xc0: {  	s0 =	sadd.s32 $0x8F2B, s0  }
0xc1: {  	[sflag:s0] =	ssyncadd.remote.s32 $0x1  }
0xc2: {  	_ =	sfence.sel $0xFFFF  }
0xc3: {  	[dreg:$0x0] =	wrdreg $0xFFFFFFFF;
	(pc) =	sbr.abs _section_cstart, $3  }
0xc4: {  	[dreg:$0x1] =	wrdreg $0xFFFFFFFF  }
0xc5: {  	_ =	task.clear_ibuf [dreg:s8], $0x2FFFF;
	_ =	strace $0x9FFFFFFF  }
0xc6: {  	(tm) =	ssettm $0x7FFFFFFF  }
0xc7: {  	_ =	shalt  }
tec
execute0_lowered:
.L_overlay_start_1:
0x0: {  	(tag) =	ssettag $0x1  }
0x1: {  	s0 =	rddreg [dreg:$0x0]  }
0x2: {  	s1 =	rddreg [dreg:$0x3]  }
0x3: {  	s4 =	rddreg [dreg:$0x4]  }
0x4: {  	s13 =	stileid.u32;
	s5 =	simm.s32 $0x0;
	s3 =	srdreg.scid  }
0x5: {  	s14 =	simm.s32 $0x1;
	s18 =	simm.s32 $0xC500;
	s19 =	simm.s32 $0x80  }
0x6: {  	s20 =	simm.s32 $0x400;
	s21 =	simm.s32 $0xEF80;
	s22 =	simm.s32 $0xED00  }
0x7: {  	s24 =	simm.s32 $0x9D00;
	s29 =	simm.s32 $0x0;
	s2 =	smul.u32 $0x280, s13  }
0x8: {  	[smem:$0x7FF] =	sst s5;
	s7 =	smul.u32 $0x9D0, s13;
	s3 =	sand.u32 $0x1, s3  }
0x9: {  	s10 =	sshrl.u32 s13, $0x3;
	s11 =	smul.u32 $0x5000, s13;
	s30 =	sshll.u32 s13, $0x7  }
0xa: {  	_ =	strace $0x80000047;
	s8 =	ssub.s32 $0x2, s3;
	s10 =	smul.u32 $0x50000, s10  }
0xb: {  	s31 =	sor.u32 s3, s13;
	s6 =	sshrl.u32 s2, $0x3;
	s9 =	sadd.s32 s7, s0  }
0xc: {  	s26 =	sshrl.u32 s8, $0x1;
	s11 =	sshrl.u32 s11, $0x2;
	s12 =	sadd.s32 s2, s4  }
.Ltmp0:
0xd: {  	p0 =	sne.s32 s31, $0x0;
	s6 =	sadd.s32 s6, s0;
	(pc) =	sbr.rel .LBB2_1-.Ltmp0, $4  }
0xe: {  	s0 =	sadd.s32 $0x14400, s0;
	s28 =	ssub.s32 s8, s26;
	s7 =	sadd.s32 $0x200, s9  }
0xf: {  	s8 =	sadd.s32 $0xA000, s9;
	s10 =	sshrl.u32 s10, $0x2;
	s11 =	sadd.s32 s11, s1  }
0x10: {  	s9 =	sadd.s32 $0x13E00, s6;
	s6 =	sand.u32 $0x380, s30;
	s10 =	sadd.s32 s10, s1  }
0x11: {  	v0 =	vimm.f32 $0.0e+00;
	v1 =	vimm.f32 $1.000000000e+00;
	[dreg:$0x6] =	wrdreg s0;
	s13 =	smax.u32 s28, $0x1;
	s10 =	sadd.s32 s6, s10  }
.LBB2_45:
0x12: {  	s29 =	sadd.s32 $0x1, s29  }
0x13: {  	p1 =	sne.s32 s29, s13  }
.Ltmp1:
0x14: {  	_ = 	snop;
	(pc) =	sbr.rel @!p1 .LBB2_46-.Ltmp1, $1  }
0x15: {  	_ =	sdelay $0x3  }
.LBB2_1:
0x16: {  	[tilespmem:s5], [sflag:$0x1] =	stream.linear.gather [hbm4b:s7+s5], $0x4E80, $0x38;
	[tilespmem:$0x15600] =	vst v63  }
0x17: {  	_ =	swait.ge [sflag:s14], $0x4E80  }
0x18: {  	[sflag:s14] =	ssyncset.done $0x0  }
0x19: {  	s0 =	simm.s32 $0x4E80;
	[sflag:s14] =	ssyncadd.s32 $0xFFFFB180  }
0x1a: {  	[tilespmem:s0], [sflag:$0x1] =	stream.linear.gather [hbm4b:s8+s5], $0x4E80, $0x38;
	[tilespmem:$0x15600] =	vst v63  }
0x1b: {  	_ =	swait.ge [sflag:s14], $0x4E80  }
0x1c: {  	[sflag:s14] =	ssyncset.done $0x0  }
0x1d: {  	s30 =	simm.s32 $0xF200;
	[sflag:s14] =	ssyncadd.s32 $0xFFFFB180  }
0x1e: {  	[tilespmem:s30], [sflag:$0x1] =	stream.linear.gather [hbm4b:s9+s5], $0x280, $0x38;
	[tilespmem:$0x15600] =	vst v63  }
0x1f: {  	_ =	swait.ge [sflag:s14], $0x280  }
0x20: {  	[sflag:s14] =	ssyncset.done $0x0  }
0x21: {  	[sflag:s14] =	ssyncadd.s32 $0xFFFFFD80  }
0x22: {  	s1 =	simm.s32 $0xFC00;
	s31 =	rddreg [dreg:$0x2]  }
0x23: {  	[tilespmem:s1], [sflag:$0x1] =	stream.linear.gather [hbm4b:s31+s5], $0x80, $0x38;
	[tilespmem:$0x15600] =	vst v63  }
0x24: {  	_ =	swait.ge [sflag:s14], $0x80  }
0x25: {  	[sflag:s14] =	ssyncset.done $0x0  }
0x26: {  	s1 =	simm.s32 $0xC540;
	[sflag:s14] =	ssyncadd.s32 $0xFFFFFF80  }
0x27: {  	[tilespmem:s1+$0xFFFFFFC0] =	vst v0  }
0x28: {  	[tilespmem:s1+$0x30] =	vst v0  }
0x29: {  	[tilespmem:s1+$0x20] =	vst v0  }
0x2a: {  	[tilespmem:s1+$0x10] =	vst v0  }
0x2b: {  	[tilespmem:s1+$0x0] =	vst v0  }
0x2c: {  	[tilespmem:s1+$0xFFFFFFF0] =	vst v0  }
0x2d: {  	s2 =	simm.s32 $0x0;
	[tilespmem:s1+$0xFFFFFFE0] =	vst v0  }
.LBB2_2:
0x2e: {  	s2 =	sadd.s32 $0x8, s2;
	[tilespmem:s1+$0xFFFFFFD0] =	vst v0;
	s1 =	sadd.s32 $0x80, s1;
	s0 =	simm.s32 $0x4EC0  }
0x2f: {  	[tilespmem:s1+$0xFFFFFFC0] =	vst v0;
	p1 =	slt.u32 s2, $0x278  }
0x30: {  	[tilespmem:s1+$0x30] =	vst v0  }
.Ltmp2:
0x31: {  	[tilespmem:s1+$0x20] =	vst v0;
	(pc) =	sbr.rel @p1 .LBB2_2-.Ltmp2, $4  }
0x32: {  	[tilespmem:s1+$0x10] =	vst v0  }
0x33: {  	[tilespmem:s1+$0x0] =	vst v0  }
0x34: {  	[tilespmem:s1+$0xFFFFFFF0] =	vst v0  }
0x35: {  	[tilespmem:s1+$0xFFFFFFE0] =	vst v0  }
0x36: {  	[tilespmem:s1+$0xFFFFFFD0] =	vst v0  }
0x37: {  	v3 =	vld [tilespmem:s0+$0xFFFFFFC0]  }
0x38: {  	v4 =	vld [tilespmem:s0+$0x30]  }
0x39: {  	v5 =	vld [tilespmem:s0+$0x20]  }
0x3a: {  	v6 =	vld [tilespmem:s0+$0x10]  }
0x3b: {  	v7 =	vld [tilespmem:s0+$0x0]  }
0x3c: {  	v8 =	vld [tilespmem:s0+$0xFFFFFFF0]  }
0x3d: {  	v9 =	vld [tilespmem:s0+$0xFFFFFFE0]  }
0x3e: {  	v2 =	vld [tilespmem:s0+$0xFFFFFFD0]  }
0x3f: {  	[tilespmem:v3+s18+$0x0] =	vst.idx.add.f32.msk $0xffff, v1  }
0x40: {  	[tilespmem:v4+s18+$0x0] =	vst.idx.add.f32.msk $0xffff, v1  }
0x41: {  	[tilespmem:v5+s18+$0x0] =	vst.idx.add.f32.msk $0xffff, v1  }
0x42: {  	[tilespmem:v6+s18+$0x0] =	vst.idx.add.f32.msk $0xffff, v1  }
0x43: {  	[tilespmem:v7+s18+$0x0] =	vst.idx.add.f32.msk $0xffff, v1  }
0x44: {  	[tilespmem:v8+s18+$0x0] =	vst.idx.add.f32.msk $0xffff, v1  }
0x45: {  	s1 =	simm.s32 $0x0;
	[tilespmem:v9+s18+$0x0] =	vst.idx.add.f32.msk $0xffff, v1  }
.LBB2_4:
0x46: {  	s1 =	sadd.s32 $0x8, s1;
	[tilespmem:v2+s18+$0x0] =	vst.idx.add.f32.msk $0xffff, v1;
	s0 =	sadd.s32 $0x80, s0  }
0x47: {  	v3 =	vld [tilespmem:s0+$0xFFFFFFC0];
	p1 =	slt.u32 s1, $0x4E0  }
0x48: {  	v4 =	vld [tilespmem:s0+$0x30]  }
0x49: {  	v5 =	vld [tilespmem:s0+$0x20]  }
0x4a: {  	v6 =	vld [tilespmem:s0+$0x10]  }
0x4b: {  	v7 =	vld [tilespmem:s0+$0x0]  }
0x4c: {  	v8 =	vld [tilespmem:s0+$0xFFFFFFF0]  }
0x4d: {  	v9 =	vld [tilespmem:s0+$0xFFFFFFE0]  }
0x4e: {  	v2 =	vld [tilespmem:s0+$0xFFFFFFD0]  }
0x4f: {  	[tilespmem:v3+s18+$0x0] =	vst.idx.add.f32.msk $0xffff, v1  }
0x50: {  	[tilespmem:v4+s18+$0x0] =	vst.idx.add.f32.msk $0xffff, v1  }
.Ltmp3:
0x51: {  	[tilespmem:v5+s18+$0x0] =	vst.idx.add.f32.msk $0xffff, v1;
	(pc) =	sbr.rel @p1 .LBB2_4-.Ltmp3, $4  }
0x52: {  	[tilespmem:v6+s18+$0x0] =	vst.idx.add.f32.msk $0xffff, v1  }
0x53: {  	[tilespmem:v7+s18+$0x0] =	vst.idx.add.f32.msk $0xffff, v1  }
0x54: {  	[tilespmem:v8+s18+$0x0] =	vst.idx.add.f32.msk $0xffff, v1  }
0x55: {  	[tilespmem:v9+s18+$0x0] =	vst.idx.add.f32.msk $0xffff, v1  }
0x56: {  	_ =	sdelay $0x3  }
0x57: {  	[tilespmem:v2+s18+$0x0] =	vst.idx.add.f32.msk $0xffff, v1;
	s0 =	simm.s32 $0x1  }
0x58: {  	[spmem:s10] =	stream.strided.scatter [tilespmem:s18], [sflag:$0x1], $0x2800, s20, s19, $0x38;
	[tilespmem:$0x15600] =	vst v63  }
0x59: {  	_ =	swait.ge [sflag:s0], $0x2800  }
0x5a: {  	[sflag:s0] =	ssyncset.done $0x0  }
0x5b: {  	[sflag:s0] =	ssyncadd.s32 $0xFFFFD800  }
0x5c: {  	[bflag:$0x0] =	sbarrier.arrive $0xFFFF  }
0x5d: {  	[tilespmem:s21], [sflag:$0x1] =	stream.strided.gather [spmem:s11], $0x280, s20, s19, $0x38;
	[tilespmem:$0x15600] =	vst v63  }
0x5e: {  	_ =	swait.ge [sflag:s0], $0x280  }
0x5f: {  	[sflag:s0] =	ssyncset.done $0x0  }
0x60: {  	[sflag:s0] =	ssyncadd.s32 $0xFFFFFD80  }
.LBB2_6:
0x61: {  	s1 =	sshrl.u32 s0, $0x3  }
0x62: {  	s1 =	smul.u32 $0x50000, s1;
	_ =	sdelay $0x1  }
0x63: {  	s2 =	sshll.u32 s0, $0x7;
	s1 =	sshra.s32 s1, $0x2  }
0x64: {  	s2 =	sand.u32 $0x380, s2;
	s1 =	sadd.s32 s1, s11  }
0x65: {  	s1 =	sadd.s32 s2, s1  }
0x66: {  	[tilespmem:s22], [sflag:$0x1] =	stream.strided.gather [spmem:s1], $0x280, s20, s19, $0x38;
	[tilespmem:$0x15600] =	vst v63  }
0x67: {  	_ =	swait.ge [sflag:s14], $0x280  }
0x68: {  	[sflag:s14] =	ssyncset.done $0x0  }
0x69: {  	s1 =	simm.s32 $0xEFC0;
	[sflag:s14] =	ssyncadd.s32 $0xFFFFFD80  }
0x6a: {  	s2 =	simm.s32 $0xED40;
	v3 =	vld [tilespmem:s1+$0x30]  }
0x6b: {  	v4 =	vld [tilespmem:s2+$0x30]  }
0x6c: {  	v2 =	vld [tilespmem:s2+$0xFFFFFFC0]  }
0x6d: {  	v5 =	vld [tilespmem:s1+$0xFFFFFFD0]  }
0x6e: {  	v6 =	vld [tilespmem:s2+$0xFFFFFFD0]  }
0x6f: {  	v7 =	vld [tilespmem:s1+$0xFFFFFFE0]  }
0x70: {  	v8 =	vld [tilespmem:s2+$0xFFFFFFE0]  }
0x71: {  	v9 =	vld [tilespmem:s1+$0xFFFFFFF0]  }
0x72: {  	v10 =	vld [tilespmem:s2+$0xFFFFFFF0]  }
0x73: {  	v11 =	vld [tilespmem:s1+$0x0]  }
0x74: {  	v12 =	vld [tilespmem:s2+$0x0];
	v4 =	vadd.f32 v4, v3  }
0x75: {  	v6 =	vadd.f32 v6, v5;
	v3 =	vld [tilespmem:s1+$0x10]  }
0x76: {  	v7 =	vadd.f32 v8, v7;
	v5 =	vld [tilespmem:s2+$0x10];
	[tilespmem:s1+$0x30] =	vst v4  }
0x77: {  	v8 =	vadd.f32 v10, v9;
	[tilespmem:s1+$0xFFFFFFD0] =	vst v6;
	v4 =	vld [tilespmem:s1+$0x20]  }
0x78: {  	[tilespmem:s1+$0xFFFFFFE0] =	vst v7;
	v7 =	vld [tilespmem:s2+$0x20]  }
0x79: {  	s3 =	simm.s32 $0x0;
	s6 =	simm.s32 $0xF040;
	v6 =	vld [tilespmem:s1+$0xFFFFFFC0];
	[tilespmem:s1+$0xFFFFFFF0] =	vst v8;
	v8 =	vadd.f32 v12, v11  }
.LBB2_7:
0x7a: {  	v9 =	vld [tilespmem:s6+$0x30];
	s2 =	sadd.s32 $0x80, s2  }
0x7b: {  	s3 =	sadd.s32 $0x8, s3;
	v10 =	vld [tilespmem:s2+$0x30];
	[tilespmem:s1+$0x0] =	vst v8;
	v3 =	vadd.f32 v5, v3  }
0x7c: {  	p1 =	slt.u32 s3, $0x20;
	v5 =	vld [tilespmem:s2+$0xFFFFFFC0]  }
0x7d: {  	v8 =	vld [tilespmem:s6+$0xFFFFFFD0];
	[tilespmem:s1+$0x10] =	vst v3;
	v3 =	vadd.f32 v7, v4  }
0x7e: {  	v4 =	vld [tilespmem:s2+$0xFFFFFFD0];
	v11 =	vadd.f32 v2, v6  }
0x7f: {  	v6 =	vld [tilespmem:s6+$0xFFFFFFE0];
	[tilespmem:s1+$0x20] =	vst v3  }
0x80: {  	v3 =	vld [tilespmem:s2+$0xFFFFFFE0];
	v7 =	vadd.f32 v10, v9;
	[tilespmem:s1+$0xFFFFFFC0] =	vst v11;
	s1 =	smov.u32 s6  }
0x81: {  	v9 =	vld [tilespmem:s6+$0xFFFFFFF0];
	v2 =	vmov v5  }
0x82: {  	v10 =	vld [tilespmem:s2+$0xFFFFFFF0];
	[tilespmem:s6+$0x30] =	vst v7  }
0x83: {  	v4 =	vadd.f32 v4, v8;
	v8 =	vld [tilespmem:s6+$0x0]  }
0x84: {  	v11 =	vld [tilespmem:s2+$0x0]  }
.Ltmp4:
0x85: {  	[tilespmem:s6+$0xFFFFFFD0] =	vst v4;
	v4 =	vadd.f32 v3, v6;
	v3 =	vld [tilespmem:s6+$0x10];
	(pc) =	sbr.rel @p1 .LBB2_7-.Ltmp4, $4  }
0x86: {  	v5 =	vld [tilespmem:s2+$0x10]  }
0x87: {  	[tilespmem:s6+$0xFFFFFFE0] =	vst v4;
	v9 =	vadd.f32 v10, v9;
	v4 =	vld [tilespmem:s6+$0x20]  }
0x88: {  	v7 =	vld [tilespmem:s2+$0x20]  }
0x89: {  	s6 =	sadd.s32 $0x80, s6;
	v6 =	vld [tilespmem:s1+$0xFFFFFFC0];
	[tilespmem:s1+$0xFFFFFFF0] =	vst v9;
	v8 =	vadd.f32 v11, v8  }
0x8a: {  	s0 =	sadd.s32 $0x1, s0  }
0x8b: {  	p1 =	sne.s32 s0, $0x10  }
.Ltmp5:
0x8c: {  	v3 =	vadd.f32 v5, v3;
	(pc) =	sbr.rel @p1 .LBB2_6-.Ltmp5, $4  }
0x8d: {  	[tilespmem:s1+$0x0] =	vst v8;
	v4 =	vadd.f32 v7, v4  }
0x8e: {  	[tilespmem:s1+$0x10] =	vst v3;
	v2 =	vadd.f32 v2, v6  }
0x8f: {  	[tilespmem:s1+$0x20] =	vst v4  }
0x90: {  	[tilespmem:s1+$0xFFFFFFC0] =	vst v2  }
0x91: {  	[bflag:$0x0] =	sbarrier.arrive $0xFFFF;
	s0 =	simm.s32 $0xEFA0  }
0x92: {  	v2 =	vld [tilespmem:s0+$0xFFFFFFE0];
	_ =	sdelay $0x1  }
0x93: {  	v3 =	vld [tilespmem:s0+$0x0]  }
0x94: {  	v4 =	vld [tilespmem:s0+$0xFFFFFFF0];
	_ =	sdelay $0x1  }
0x95: {  	v2 =	vadd.f32 $1.000000000e+00, v2;
	_ =	sdelay $0x1  }
0x96: {  	v3 =	vadd.f32 $1.000000000e+00, v3;
	v5 =	vshra.s32 v2, $0x1;
	v2 =	vmul.f32 $5.000000000e-01, v2  }
0x97: {  	v4 =	vadd.f32 $1.000000000e+00, v4;
	v5 =	vsub.s32 $0x5F3759DF, v5  }
0x98: {  	v6 =	vshra.s32 v3, $0x1;
	v8 =	vmul.f32 $5.000000000e-01, v3;
	v3 =	vmul.f32 v5, v2  }
0x99: {  	v10 =	vmul.f32 $5.000000000e-01, v4;
	v6 =	vsub.s32 $0x5F3759DF, v6  }
0x9a: {  	s23 =	simm.s32 $0xEFE0;
	v7 =	vld [tilespmem:s0+$0x10];
	v4 =	vshra.s32 v4, $0x1;
	v9 =	vmul.f32 v6, v8;
	v3 =	vmul.f32 v5, v3  }
0x9b: {  	v11 =	vld [tilespmem:s23+$0xFFFFFFF0];
	v4 =	vsub.s32 $0x5F3759DF, v4  }
0x9c: {  	v13 =	vld [tilespmem:s23+$0x0];
	v12 =	vmul.f32 v4, v10;
	v9 =	vmul.f32 v6, v9;
	v3 =	vsub.f32 $1.500000000e+00, v3  }
0x9d: {  	v14 =	vld [tilespmem:s23+$0xFFFFFFE0]  }
0x9e: {  	v12 =	vmul.f32 v4, v12;
	v9 =	vsub.f32 $1.500000000e+00, v9;
	v3 =	vmul.f32 v5, v3  }
0x9f: {  	v5 =	vadd.f32 $1.000000000e+00, v7  }
0xa0: {  	v12 =	vsub.f32 $1.500000000e+00, v12;
	v6 =	vmul.f32 v6, v9;
	v9 =	vmul.f32 v3, v2  }
0xa1: {  	v15 =	vshra.s32 v5, $0x1;
	v7 =	vmul.f32 $5.000000000e-01, v5;
	v5 =	vadd.f32 $1.000000000e+00, v13  }
0xa2: {  	v14 =	vadd.f32 $1.000000000e+00, v14;
	v12 =	vmul.f32 v4, v12;
	v13 =	vadd.f32 $1.000000000e+00, v11  }
0xa3: {  	v9 =	vmul.f32 v9, v3;
	v4 =	vshra.s32 v5, $0x1;
	v11 =	vmul.f32 $5.000000000e-01, v5  }
0xa4: {  	v5 =	vshra.s32 v14, $0x1;
	v14 =	vmul.f32 $5.000000000e-01, v14;
	v20 =	vshra.s32 v13, $0x1  }
0xa5: {  	v17 =	vmul.f32 $5.000000000e-01, v13;
	v4 =	vsub.s32 $0x5F3759DF, v4;
	v5 =	vsub.s32 $0x5F3759DF, v5  }
0xa6: {  	v20 =	vsub.s32 $0x5F3759DF, v20;
	v18 =	vmul.f32 v4, v11;
	v13 =	vmul.f32 v5, v14  }
0xa7: {  	v19 =	vld [tilespmem:s23+$0x10];
	v22 =	vmul.f32 v12, v10;
	v9 =	vsub.f32 $1.500000000e+00, v9;
	v21 =	vmul.f32 v20, v17  }
0xa8: {  	v15 =	vsub.s32 $0x5F3759DF, v15;
	v18 =	vmul.f32 v4, v18;
	v13 =	vmul.f32 v5, v13  }
0xa9: {  	s25 =	simm.s32 $0xF020;
	v23 =	vmul.f32 v9, v3;
	v3 =	vmul.f32 v15, v7  }
0xaa: {  	v16 =	vmul.f32 v6, v8;
	v9 =	vmul.f32 v20, v21;
	v21 =	vld [tilespmem:s25+$0xFFFFFFF0];
	v18 =	vsub.f32 $1.500000000e+00, v18  }
0xab: {  	v22 =	vmul.f32 v22, v12;
	v13 =	vsub.f32 $1.500000000e+00, v13;
	v3 =	vmul.f32 v15, v3  }
0xac: {  	v19 =	vadd.f32 $1.000000000e+00, v19;
	v18 =	vmul.f32 v4, v18;
	v4 =	vmul.f32 v23, v2  }
0xad: {  	v9 =	vsub.f32 $1.500000000e+00, v9;
	v5 =	vmul.f32 v5, v13;
	v13 =	vmul.f32 v16, v6  }
0xae: {  	v2 =	vmul.f32 $5.000000000e-01, v19;
	v19 =	vshra.s32 v19, $0x1;
	v3 =	vsub.f32 $1.500000000e+00, v3  }
0xaf: {  	v20 =	vmul.f32 v20, v9;
	v9 =	vsub.f32 $1.500000000e+00, v22;
	v21 =	vadd.f32 $1.000000000e+00, v21  }
0xb0: {  	v16 =	vld [tilespmem:s25+$0x0];
	v19 =	vsub.s32 $0x5F3759DF, v19;
	v24 =	vmul.f32 v5, v14;
	v25 =	vmul.f32 v4, v23  }
0xb1: {  	v13 =	vsub.f32 $1.500000000e+00, v13;
	v22 =	vmul.f32 v15, v3;
	v15 =	vmul.f32 v18, v11  }
0xb2: {  	v28 =	vmul.f32 v19, v2;
	v12 =	vmul.f32 v9, v12  }
0xb3: {  	v4 =	vld [tilespmem:s25+$0xFFFFFFE0];
	v3 =	vshra.s32 v21, $0x1;
	v24 =	vmul.f32 v24, v5;
	v6 =	vmul.f32 v13, v6  }
0xb4: {  	v13 =	vsub.s32 $0x5F3759DF, v3;
	v3 =	vmul.f32 $5.000000000e-01, v21;
	v33 =	vmul.f32 v22, v7  }
0xb5: {  	v25 =	vsub.f32 $1.500000000e+00, v25;
	v15 =	vmul.f32 v15, v18;
	v16 =	vadd.f32 $1.000000000e+00, v16  }
0xb6: {  	v31 =	vmul.f32 v13, v3;
	v8 =	vmul.f32 v6, v8;
	v9 =	vsub.f32 $1.500000000e+00, v24  }
0xb7: {  	v59 =	vmul.f32 v33, v22;
	v23 =	vmul.f32 v25, v23;
	v15 =	vsub.f32 $1.500000000e+00, v15  }
0xb8: {  	v21 =	vadd.f32 $1.000000000e+00, v4;
	v27 =	vshra.s32 v16, $0x1;
	v4 =	vmul.f32 $5.000000000e-01, v16  }
0xb9: {  	v16 =	vmul.f32 v20, v17;
	v27 =	vsub.s32 $0x5F3759DF, v27;
	v24 =	vmul.f32 v8, v6  }
0xba: {  	v29 =	vshra.s32 v21, $0x1;
	v30 =	vmul.f32 $5.000000000e-01, v21;
	v21 =	vmul.f32 v27, v4  }
0xbb: {  	v31 =	vmul.f32 v13, v31;
	v9 =	vmul.f32 v9, v5;
	v29 =	vsub.s32 $0x5F3759DF, v29  }
0xbc: {  	v26 =	vld [tilespmem:s25+$0x10];
	v32 =	vmul.f32 v29, v30;
	v21 =	vmul.f32 v27, v21  }
0xbd: {  	v5 =	vmul.f32 v12, v10;
	v15 =	vmul.f32 v15, v18;
	v24 =	vsub.f32 $1.500000000e+00, v24  }
0xbe: {  	v25 =	vmul.f32 v16, v20;
	v8 =	vmul.f32 v29, v32;
	v21 =	vsub.f32 $1.500000000e+00, v21  }
0xbf: {  	s26 =	simm.s32 $0xF060;
	v14 =	vmul.f32 v9, v14;
	v24 =	vmul.f32 v24, v6  }
0xc0: {  	s17 =	simm.s32 $0xF4A0;
	v10 =	vsub.f32 $1.500000000e+00, v8;
	v8 =	vmul.f32 v27, v21;
	v27 =	vmul.f32 v19, v28;
	v28 =	vld [tilespmem:s26+$0xFFFFFFF0]  }
0xc1: {  	s16 =	simm.s32 $0xF220;
	v26 =	vadd.f32 $1.000000000e+00, v26;
	v38 =	vmul.f32 v15, v11;
	v60 =	vmul.f32 v14, v9;
	[tilespmem:s17+$0x0] =	vst v24  }
0xc2: {  	v32 =	vsub.f32 $1.500000000e+00, v59;
	v39 =	vld [tilespmem:s16+$0x0];
	v29 =	vmul.f32 v29, v10;
	v10 =	vmul.f32 v5, v12  }
0xc3: {  	v38 =	vmul.f32 v38, v15;
	v21 =	vsub.f32 $1.500000000e+00, v31;
	v31 =	vshra.s32 v26, $0x1  }
0xc4: {  	[tilespmem:s17+$0xFFFFFFE0] =	vst v23;
	v32 =	vmul.f32 v32, v22;
	v5 =	vmul.f32 $5.000000000e-01, v26;
	v26 =	vld [tilespmem:s26+$0x0];
	v10 =	vsub.f32 $1.500000000e+00, v10  }
0xc5: {  	v22 =	vsub.f32 $1.500000000e+00, v25;
	v16 =	vmul.f32 v29, v30;
	v6 =	vadd.f32 $1.000000000e+00, v28;
	v28 =	vld [tilespmem:s16+$0xFFFFFFE0]  }
0xc6: {  	v14 =	vsub.f32 $1.500000000e+00, v27;
	v27 =	vmul.f32 v10, v12;
	v10 =	vmul.f32 v13, v21;
	v21 =	vld [tilespmem:s26+$0xFFFFFFE0]  }
0xc7: {  	v20 =	vmul.f32 v22, v20;
	v63 =	vmul.f32 v24, v39  }
0xc8: {  	v34 =	vmul.f32 v16, v29;
	v13 =	vsub.s32 $0x5F3759DF, v31;
	v12 =	vmul.f32 v19, v14  }
0xc9: {  	v16 =	vmul.f32 v8, v4;
	v14 =	vshra.s32 v6, $0x1;
	v6 =	vmul.f32 $5.000000000e-01, v6  }
0xca: {  	v19 =	vadd.f32 $1.000000000e+00, v26;
	v35 =	vmul.f32 v13, v5;
	v26 =	vld [tilespmem:s26+$0x10];
	v14 =	vsub.s32 $0x5F3759DF, v14;
	[tilespmem:s17+$0xFFFFFFF0] =	vst v27  }
0xcb: {  	v18 =	vmul.f32 v10, v3;
	v37 =	vld [tilespmem:s16+$0xFFFFFFF0];
	v23 =	vmul.f32 v23, v28;
	v21 =	vadd.f32 $1.000000000e+00, v21  }
0xcc: {  	v25 =	vshra.s32 v19, $0x1;
	v28 =	vmul.f32 v32, v7;
	v7 =	vmul.f32 $5.000000000e-01, v19  }
0xcd: {  	v36 =	vsub.s32 $0x5F3759DF, v25;
	v19 =	vshra.s32 v21, $0x1;
	v11 =	vmul.f32 $5.000000000e-01, v21  }
0xce: {  	v21 =	vmul.f32 v28, v32;
	v28 =	vmul.f32 v36, v7;
	v25 =	vsub.s32 $0x5F3759DF, v19  }
0xcf: {  	v34 =	vsub.f32 $1.500000000e+00, v34;
	v31 =	vmul.f32 v14, v6;
	v22 =	vmul.f32 v25, v11  }
0xd0: {  	v19 =	vadd.f32 $1.000000000e+00, v26;
	v27 =	vmul.f32 v27, v37;
	v40 =	vmul.f32 v36, v28  }
0xd1: {  	v26 =	vmul.f32 v12, v2;
	v61 =	vsub.f32 $1.500000000e+00, v21;
	v21 =	vmul.f32 v25, v22  }
0xd2: {  	s6 =	simm.s32 $0xF720;
	s15 =	simm.s32 $0xF4E0;
	s1 =	simm.s32 $0xF760;
	v28 =	vmul.f32 v20, v17;
	v17 =	vmul.f32 v14, v31;
	v62 =	vsub.f32 $1.500000000e+00, v40  }
0xd3: {  	s3 =	simm.s32 $0xF260;
	s30 =	simm.s32 $0xF7A0;
	s2 =	simm.s32 $0xF2A0;
	[tilespmem:s6+$0xFFFFFFF0] =	vst v27;
	v27 =	vsub.f32 $1.500000000e+00, v38;
	v31 =	vsub.f32 $1.500000000e+00, v21;
	v21 =	vmul.f32 v34, v29  }
0xd4: {  	s28 =	simm.s32 $0xF2A0;
	s31 =	simm.s32 $0xF7A0;
	s23 =	simm.s32 $0xF0A0;
	[tilespmem:s6+$0xFFFFFFE0] =	vst v23;
	v24 =	vsub.f32 $1.500000000e+00, v17;
	v23 =	vmul.f32 v61, v32;
	v17 =	vmul.f32 v36, v62  }
0xd5: {  	s0 =	simm.s32 $0xF560;
	s25 =	simm.s32 $0xC;
	s26 =	simm.s32 $0xF520;
	[tilespmem:s6+$0x0] =	vst v63;
	v22 =	vsub.f32 $1.500000000e+00, v60;
	v29 =	vmul.f32 v21, v30;
	v30 =	vmul.f32 v13, v35  }
.LBB2_10:
0xd6: {  	v32 =	vld [tilespmem:s23+$0xFFFFFFF0];
	s25 =	sadd.s32 $0x4, s25;
	v33 =	vmul.f32 v25, v31;
	v25 =	vshra.s32 v19, $0x1;
	s30 =	sadd.s32 $0x40, s30;
	s2 =	sadd.s32 $0x40, s2;
	v28 =	vmul.f32 v28, v20;
	[tilespmem:s17+$0x10] =	vst v23  }
0xd7: {  	v16 =	vmul.f32 v16, v8;
	v26 =	vmul.f32 v26, v12;
	p1 =	slt.u32 s25, $0x24;
	v31 =	vld [tilespmem:s16+$0x10];
	s16 =	smov.u32 s3;
	s3 =	smov.u32 s28  }
0xd8: {  	v34 =	vmul.f32 $5.000000000e-01, v19;
	v18 =	vmul.f32 v18, v10;
	s17 =	smov.u32 s15;
	s15 =	smov.u32 s26;
	s28 =	smov.u32 s2;
	v19 =	vsub.f32 $1.500000000e+00, v28  }
0xd9: {  	v22 =	vmul.f32 v22, v9;
	v9 =	vmovc v21;
	s26 =	smov.u32 s0;
	v28 =	vmul.f32 v33, v11;
	v35 =	vsub.f32 $1.500000000e+00, v16  }
0xda: {  	v29 =	vmul.f32 v29, v9;
	v16 =	vsub.f32 $1.500000000e+00, v30;
	v21 =	vld [tilespmem:s23+$0x0];
	v30 =	vmul.f32 v19, v20  }
0xdb: {  	v27 =	vmul.f32 v27, v15;
	v28 =	vmul.f32 v28, v33;
	v20 =	vsub.f32 $1.500000000e+00, v26;
	v19 =	vld [tilespmem:s23+$0x10];
	[tilespmem:s17+$0xFFFFFFE0] =	vst v22  }
0xdc: {  	v24 =	vmul.f32 v14, v24;
	v26 =	vadd.f32 $1.000000000e+00, v32;
	v32 =	vld [tilespmem:s16+$0xFFFFFFE0];
	[tilespmem:s17+$0xFFFFFFF0] =	vst v30;
	v23 =	vmul.f32 v23, v31  }
0xdd: {  	v36 =	vsub.f32 $1.500000000e+00, v18;
	v18 =	vmul.f32 v13, v16;
	v13 =	vsub.s32 $0x5F3759DF, v25;
	v31 =	vld [tilespmem:s23+$0xFFFFFFE0]  }
0xde: {  	v16 =	vmul.f32 v17, v7;
	v15 =	vmul.f32 v35, v8;
	v8 =	vmovc v17;
	v14 =	vshra.s32 v26, $0x1;
	[tilespmem:s17+$0x0] =	vst v27  }
0xdf: {  	v35 =	vmul.f32 v20, v12;
	v12 =	vmovc v18;
	v17 =	vmul.f32 $5.000000000e-01, v26;
	v14 =	vsub.s32 $0x5F3759DF, v14;
	[tilespmem:s6+$0x10] =	vst v23;
	s6 =	smov.u32 s1;
	s1 =	smov.u32 s31;
	s31 =	smov.u32 s30  }
0xe0: {  	v37 =	vmul.f32 v13, v34;
	v18 =	vmul.f32 v24, v6;
	v20 =	vadd.f32 $1.000000000e+00, v21  }
0xe1: {  	v21 =	vmul.f32 v14, v17;
	v19 =	vadd.f32 $1.000000000e+00, v19;
	v22 =	vmul.f32 v22, v32  }
0xe2: {  	v26 =	vmul.f32 v35, v2;
	v2 =	vmovc v5;
	v5 =	vmovc v34;
	v25 =	vshra.s32 v20, $0x1;
	v23 =	vadd.f32 $1.000000000e+00, v31  }
0xe3: {  	v32 =	vsub.s32 $0x5F3759DF, v25;
	v31 =	vmul.f32 v15, v4;
	v4 =	vmovc v7;
	v7 =	vmul.f32 $5.000000000e-01, v20;
	[tilespmem:s6+$0xFFFFFFE0] =	vst v22;
	v34 =	vld [tilespmem:s16+$0xFFFFFFF0]  }
0xe4: {  	v22 =	vmul.f32 v26, v35;
	v20 =	vshra.s32 v23, $0x1;
	v38 =	vmul.f32 $5.000000000e-01, v23;
	v23 =	vld [tilespmem:s16+$0x0]  }
0xe5: {  	v26 =	vmul.f32 v32, v7;
	v25 =	vsub.s32 $0x5F3759DF, v20;
	v20 =	vmul.f32 v36, v10;
	v10 =	vmovc v24  }
0xe6: {  	v39 =	vmul.f32 v31, v15;
	v36 =	vsub.f32 $1.500000000e+00, v28;
	v24 =	vmul.f32 v25, v38  }
0xe7: {  	v40 =	vsub.f32 $1.500000000e+00, v22;
	v31 =	vmul.f32 v32, v26;
	v26 =	vmul.f32 v12, v2  }
.Ltmp6:
0xe8: {  	v22 =	vsub.f32 $1.500000000e+00, v29;
	v28 =	vmul.f32 v20, v3;
	v3 =	vmovc v6;
	v6 =	vmovc v17;
	v24 =	vmul.f32 v25, v24;
	(pc) =	sbr.rel @p1 .LBB2_10-.Ltmp6, $4  }
0xe9: {  	v17 =	vmul.f32 v14, v21;
	v29 =	vsub.f32 $1.500000000e+00, v31;
	v30 =	vmul.f32 v30, v34  }
0xea: {  	v21 =	vmul.f32 v36, v33;
	v33 =	vmul.f32 v27, v23;
	v31 =	vsub.f32 $1.500000000e+00, v24  }
0xeb: {  	v23 =	vmul.f32 v40, v35;
	v24 =	vsub.f32 $1.500000000e+00, v17;
	v17 =	vmul.f32 v32, v29;
	[tilespmem:s6+$0xFFFFFFF0] =	vst v30  }
0xec: {  	s0 =	sadd.s32 $0x40, s0;
	s23 =	sadd.s32 $0x40, s23;
	v27 =	vsub.f32 $1.500000000e+00, v39;
	v29 =	vmul.f32 v21, v11;
	v11 =	vmovc v38;
	v30 =	vmul.f32 v13, v37;
	[tilespmem:s6+$0x0] =	vst v33  }
0xed: {  	v25 =	vmul.f32 v25, v31;
	v28 =	vmul.f32 v28, v20  }
0xee: {  	v16 =	vmul.f32 v16, v8;
	v26 =	vmul.f32 v26, v12  }
0xef: {  	v32 =	vmul.f32 $5.000000000e-01, v19;
	v9 =	vmul.f32 v22, v9  }
0xf0: {  	v18 =	vmul.f32 v18, v10;
	v14 =	vmul.f32 v14, v24;
	v58 =	vshra.s32 v19, $0x1  }
0xf1: {  	v59 =	vmul.f32 v17, v7;
	v52 =	vmul.f32 v29, v21;
	v53 =	vsub.f32 $1.500000000e+00, v30  }
0xf2: {  	v15 =	vmul.f32 v27, v15;
	v19 =	vsub.s32 $0x5F3759DF, v58;
	v28 =	vsub.f32 $1.500000000e+00, v28  }
0xf3: {  	v33 =	vmul.f32 v25, v11;
	v26 =	vsub.f32 $1.500000000e+00, v26;
	v62 =	vmul.f32 v14, v6  }
0xf4: {  	[tilespmem:s17+$0x10] =	vst v23;
	v16 =	vsub.f32 $1.500000000e+00, v16;
	v63 =	vmul.f32 v19, v32;
	v44 =	vmul.f32 v59, v17  }
0xf5: {  	v51 =	vld [tilespmem:s16+$0x10];
	v18 =	vsub.f32 $1.500000000e+00, v18;
	v13 =	vmul.f32 v13, v53;
	v54 =	vmul.f32 v28, v20  }
0xf6: {  	v55 =	vmul.f32 v33, v25;
	v60 =	vmul.f32 v26, v12  }
0xf7: {  	[tilespmem:s15+$0xFFFFFFE0] =	vst v9;
	v22 =	vsub.f32 $1.500000000e+00, v52;
	v61 =	vmul.f32 v16, v8;
	v35 =	vmul.f32 v18, v10  }
0xf8: {  	v56 =	vld [tilespmem:s3+$0xFFFFFFE0];
	v26 =	vmul.f32 v19, v63;
	v16 =	vmul.f32 v62, v14  }
0xf9: {  	v37 =	vmul.f32 v13, v5;
	v45 =	vmul.f32 v22, v21  }
0xfa: {  	v47 =	vsub.f32 $1.500000000e+00, v44;
	v57 =	vmul.f32 v23, v51;
	v2 =	vmul.f32 v60, v2  }
0xfb: {  	[tilespmem:s15+$0x0] =	vst v15;
	v4 =	vmul.f32 v61, v4;
	v3 =	vmul.f32 v35, v3  }
0xfc: {  	v34 =	vld [tilespmem:s3+$0x0];
	v38 =	vsub.f32 $1.500000000e+00, v26;
	v52 =	vmul.f32 v47, v17;
	v39 =	vmul.f32 v37, v13  }
0xfd: {  	v36 =	vsub.f32 $1.500000000e+00, v55;
	v9 =	vmul.f32 v9, v56;
	v2 =	vmul.f32 v2, v60  }
0xfe: {  	[tilespmem:s15+$0xFFFFFFF0] =	vst v54;
	v16 =	vsub.f32 $1.500000000e+00, v16;
	v4 =	vmul.f32 v4, v61;
	v40 =	vmul.f32 v19, v38  }
0xff: {  	v33 =	vld [tilespmem:s3+$0xFFFFFFF0];
	v18 =	vmul.f32 v36, v25;
	v3 =	vmul.f32 v3, v35;
	v2 =	vsub.f32 $1.500000000e+00, v2  }
0x100: {  	v50 =	vmul.f32 v16, v14;
	v42 =	vsub.f32 $1.500000000e+00, v39;
	v43 =	vmul.f32 v40, v32  }
0x101: {  	v15 =	vmul.f32 v15, v34;
	v2 =	vmul.f32 v2, v60  }
0x102: {  	v13 =	vmul.f32 v42, v13;
	v46 =	vmul.f32 v43, v40  }
0x103: {  	v41 =	vmul.f32 v18, v11;
	v3 =	vsub.f32 $1.500000000e+00, v3;
	v53 =	vmul.f32 v50, v6;
	[tilespmem:s15+$0x10] =	vst v2  }
0x104: {  	[tilespmem:s26+$0xFFFFFFE0] =	vst v45;
	v20 =	vmul.f32 v54, v33;
	v48 =	vmul.f32 v13, v5;
	v51 =	vsub.f32 $1.500000000e+00, v46;
	v49 =	vld [tilespmem:s3+$0x10]  }
0x105: {  	[tilespmem:s6+$0x10] =	vst v57;
	v4 =	vsub.f32 $1.500000000e+00, v4;
	v11 =	vmul.f32 v41, v18;
	v3 =	vmul.f32 v3, v35  }
0x106: {  	[tilespmem:s1+$0xFFFFFFE0] =	vst v9;
	v5 =	vmul.f32 v48, v13;
	v12 =	vmul.f32 v51, v40  }
0x107: {  	[tilespmem:s1+$0x0] =	vst v15;
	v4 =	vmul.f32 v4, v61;
	v54 =	vmul.f32 v52, v7  }
0x108: {  	v6 =	vmul.f32 v53, v50;
	[tilespmem:s1+$0xFFFFFFF0] =	vst v20;
	v5 =	vsub.f32 $1.500000000e+00, v5;
	v55 =	vmul.f32 v12, v32  }
0x109: {  	[tilespmem:s26+$0xFFFFFFF0] =	vst v3;
	v7 =	vmul.f32 v54, v52;
	v11 =	vsub.f32 $1.500000000e+00, v11;
	v2 =	vmul.f32 v2, v49  }
0x10a: {  	v56 =	vld [tilespmem:s28+$0xFFFFFFE0];
	[tilespmem:s26+$0x0] =	vst v4;
	v6 =	vsub.f32 $1.500000000e+00, v6;
	v5 =	vmul.f32 v5, v13;
	v8 =	vmul.f32 v55, v12  }
0x10b: {  	v7 =	vsub.f32 $1.500000000e+00, v7;
	v11 =	vmul.f32 v11, v18;
	[tilespmem:s1+$0x10] =	vst v2;
	v2 =	vld [tilespmem:s28+$0xFFFFFFF0]  }
0x10c: {  	v57 =	vld [tilespmem:s28+$0x0];
	v6 =	vmul.f32 v6, v50;
	[tilespmem:s26+$0x10] =	vst v5;
	v8 =	vsub.f32 $1.500000000e+00, v8  }
0x10d: {  	[tilespmem:s0+$0xFFFFFFE0] =	vst v11;
	v7 =	vmul.f32 v7, v52;
	s26 =	sadd.s32 $0x40, s2;
	v58 =	vld [tilespmem:s28+$0x10]  }
0x10e: {  	[tilespmem:s0+$0xFFFFFFF0] =	vst v6;
	v59 =	vld [tilespmem:s26+$0xFFFFFFE0];
	v8 =	vmul.f32 v8, v12  }
0x10f: {  	v60 =	vmul.f32 v45, v56;
	[tilespmem:s0+$0x0] =	vst v7;
	v61 =	vld [tilespmem:s26+$0xFFFFFFF0]  }
0x110: {  	[tilespmem:s0+$0x10] =	vst v8;
	v2 =	vmul.f32 v3, v2;
	v3 =	vld [tilespmem:s26+$0x0]  }
0x111: {  	[tilespmem:s31+$0xFFFFFFE0] =	vst v60;
	v4 =	vmul.f32 v4, v57;
	v62 =	vld [tilespmem:s26+$0x10]  }
0x112: {  	[tilespmem:s31+$0xFFFFFFF0] =	vst v2;
	v2 =	vmul.f32 v5, v58  }
0x113: {  	[tilespmem:s31+$0x0] =	vst v4;
	v63 =	vmul.f32 v11, v59  }
0x114: {  	s30 =	sadd.s32 $0x40, s30;
	[tilespmem:s31+$0x10] =	vst v2;
	v2 =	vmul.f32 v6, v61  }
0x115: {  	[tilespmem:s30+$0xFFFFFFE0] =	vst v63;
	v3 =	vmul.f32 v7, v3  }
0x116: {  	[tilespmem:s30+$0xFFFFFFF0] =	vst v2;
	v2 =	vmul.f32 v8, v62  }
0x117: {  	[tilespmem:s30+$0x0] =	vst v3  }
0x118: {  	s15 =	simm.s32 $0xF700;
	[tilespmem:s30+$0x10] =	vst v2  }
0x119: {  	[spmem:s12] =	stream.linear.scatter [tilespmem:s15], [sflag:$0x1], $0x280, $0x38;
	[tilespmem:$0x15600] =	vst v63  }
0x11a: {  	_ =	swait.ge [sflag:s14], $0x280  }
0x11b: {  	[sflag:s14] =	ssyncset.done $0x0  }
0x11c: {  	[sflag:s14] =	ssyncadd.s32 $0xFFFFFD80  }
0x11d: {  	[bflag:$0x0] =	sbarrier.arrive $0xFFFF  }
0x11e: {  	[tilespmem:s24], [sflag:$0x1] =	stream.linear.gather [spmem:s4], $0x2800, $0x38;
	[tilespmem:$0x15600] =	vst v63  }
0x11f: {  	_ =	swait.ge [sflag:s14], $0x2800  }
0x120: {  	[sflag:s14] =	ssyncset.done $0x0  }
0x121: {  	s0 =	simm.s32 $0xC540;
	[sflag:s14] =	ssyncadd.s32 $0xFFFFD800  }
0x122: {  	[tilespmem:s0+$0xFFFFFFC0] =	vst v0  }
0x123: {  	[tilespmem:s0+$0x30] =	vst v0  }
0x124: {  	[tilespmem:s0+$0x20] =	vst v0  }
0x125: {  	[tilespmem:s0+$0x10] =	vst v0  }
0x126: {  	[tilespmem:s0+$0x0] =	vst v0  }
0x127: {  	[tilespmem:s0+$0xFFFFFFF0] =	vst v0  }
0x128: {  	s2 =	simm.s32 $0x0;
	s1 =	simm.s32 $0x40;
	[tilespmem:s0+$0xFFFFFFE0] =	vst v0  }
.LBB2_12:
0x129: {  	s2 =	sadd.s32 $0x8, s2;
	[tilespmem:s0+$0xFFFFFFD0] =	vst v0;
	s0 =	sadd.s32 $0x80, s0  }
0x12a: {  	[tilespmem:s0+$0xFFFFFFC0] =	vst v0;
	p1 =	slt.u32 s2, $0x278  }
0x12b: {  	[tilespmem:s0+$0x30] =	vst v0  }
.Ltmp7:
0x12c: {  	[tilespmem:s0+$0x20] =	vst v0;
	(pc) =	sbr.rel @p1 .LBB2_12-.Ltmp7, $4  }
0x12d: {  	[tilespmem:s0+$0x10] =	vst v0  }
0x12e: {  	[tilespmem:s0+$0x0] =	vst v0  }
0x12f: {  	[tilespmem:s0+$0xFFFFFFF0] =	vst v0  }
0x130: {  	[tilespmem:s0+$0xFFFFFFE0] =	vst v0  }
0x131: {  	[tilespmem:s0+$0xFFFFFFD0] =	vst v0  }
0x132: {  	v2 =	vld [tilespmem:s1+$0x30]  }
0x133: {  	v3 =	vld [tilespmem:s1+$0xFFFFFFC0]  }
0x134: {  	v4 =	vld [tilespmem:s1+$0xFFFFFFD0]  }
0x135: {  	v5 =	vld [tilespmem:s1+$0xFFFFFFE0]  }
0x136: {  	v6 =	vld [tilespmem:s1+$0xFFFFFFF0]  }
0x137: {  	s0 =	simm.s32 $0x4EC0;
	v7 =	vld [tilespmem:s1+$0x0]  }
0x138: {  	v8 =	vld [tilespmem:s0+$0x30]  }
0x139: {  	v9 =	vld [tilespmem:s1+$0x10]  }
0x13a: {  	v11 =	vld [tilespmem:s1+$0x20]  }
0x13b: {  	v62 =	vld [tilespmem:s0+$0xFFFFFFD0]  }
0x13c: {  	v63 =	vld [tilespmem:s0+$0xFFFFFFE0]  }
0x13d: {  	v12 =	vld [tilespmem:s0+$0xFFFFFFF0]  }
0x13e: {  	v13 =	vld [tilespmem:s0+$0x0]  }
0x13f: {  	v14 =	vld [tilespmem:s0+$0x10]  }
0x140: {  	v15 =	vld [tilespmem:s0+$0x20]  }
0x141: {  	v10 =	vld.idx.msk [tilespmem:v2+s24+$0x0], $0xffff  }
0x142: {  	v2 =	vld.idx.msk [tilespmem:v3+s24+$0x0], $0xffff  }
0x143: {  	v4 =	vld.idx.msk [tilespmem:v4+s24+$0x0], $0xffff  }
0x144: {  	v5 =	vld.idx.msk [tilespmem:v5+s24+$0x0], $0xffff  }
0x145: {  	v6 =	vld.idx.msk [tilespmem:v6+s24+$0x0], $0xffff  }
0x146: {  	v7 =	vld.idx.msk [tilespmem:v7+s24+$0x0], $0xffff  }
0x147: {  	v61 =	vld.idx.msk [tilespmem:v9+s24+$0x0], $0xffff  }
0x148: {  	v11 =	vld.idx.msk [tilespmem:v11+s24+$0x0], $0xffff  }
0x149: {  	v3 =	vld [tilespmem:s0+$0xFFFFFFC0]  }
0x14a: {  	[tilespmem:v8+s18+$0x0] =	vst.idx.add.f32.msk $0xffff, v10  }
0x14b: {  	[tilespmem:v62+s18+$0x0] =	vst.idx.add.f32.msk $0xffff, v4  }
0x14c: {  	[tilespmem:v63+s18+$0x0] =	vst.idx.add.f32.msk $0xffff, v5  }
0x14d: {  	[tilespmem:v12+s18+$0x0] =	vst.idx.add.f32.msk $0xffff, v6  }
0x14e: {  	[tilespmem:v13+s18+$0x0] =	vst.idx.add.f32.msk $0xffff, v7  }
0x14f: {  	[tilespmem:v14+s18+$0x0] =	vst.idx.add.f32.msk $0xffff, v61  }
0x150: {  	s2 =	simm.s32 $0xC0;
	s1 =	simm.s32 $0x0;
	[tilespmem:v15+s18+$0x0] =	vst.idx.add.f32.msk $0xffff, v11  }
.LBB2_14:
0x151: {  	v4 =	vld [tilespmem:s2+$0x30];
	s1 =	sadd.s32 $0x8, s1  }
0x152: {  	v5 =	vld [tilespmem:s2+$0xFFFFFFC0];
	p1 =	slt.u32 s1, $0x4E0  }
0x153: {  	v6 =	vld [tilespmem:s2+$0xFFFFFFD0]  }
0x154: {  	v7 =	vld [tilespmem:s2+$0xFFFFFFE0]  }
0x155: {  	v8 =	vld [tilespmem:s2+$0xFFFFFFF0]  }
0x156: {  	s0 =	sadd.s32 $0x80, s0;
	v9 =	vld [tilespmem:s2+$0x0]  }
0x157: {  	v10 =	vld [tilespmem:s0+$0x30]  }
0x158: {  	v11 =	vld [tilespmem:s2+$0x10]  }
0x159: {  	v4 =	vld.idx.msk [tilespmem:v4+s24+$0x0], $0xffff  }
0x15a: {  	v12 =	vld [tilespmem:s2+$0x20]  }
0x15b: {  	v5 =	vld.idx.msk [tilespmem:v5+s24+$0x0], $0xffff  }
0x15c: {  	v6 =	vld.idx.msk [tilespmem:v6+s24+$0x0], $0xffff  }
0x15d: {  	v7 =	vld.idx.msk [tilespmem:v7+s24+$0x0], $0xffff  }
0x15e: {  	v8 =	vld.idx.msk [tilespmem:v8+s24+$0x0], $0xffff  }
0x15f: {  	[tilespmem:v10+s18+$0x0] =	vst.idx.add.f32.msk $0xffff, v4  }
0x160: {  	v4 =	vld.idx.msk [tilespmem:v9+s24+$0x0], $0xffff  }
0x161: {  	v9 =	vld.idx.msk [tilespmem:v11+s24+$0x0], $0xffff  }
0x162: {  	v10 =	vld.idx.msk [tilespmem:v12+s24+$0x0], $0xffff  }
0x163: {  	v11 =	vld [tilespmem:s0+$0xFFFFFFD0]  }
0x164: {  	v12 =	vld [tilespmem:s0+$0xFFFFFFE0]  }
0x165: {  	v13 =	vld [tilespmem:s0+$0xFFFFFFF0]  }
0x166: {  	v14 =	vld [tilespmem:s0+$0x0]  }
0x167: {  	v15 =	vld [tilespmem:s0+$0x10]  }
0x168: {  	v16 =	vld [tilespmem:s0+$0x20]  }
0x169: {  	v17 =	vld [tilespmem:s0+$0xFFFFFFC0]  }
0x16a: {  	[tilespmem:v3+s18+$0x0] =	vst.idx.add.f32.msk $0xffff, v2;
	v2 =	vmov v5  }
0x16b: {  	[tilespmem:v11+s18+$0x0] =	vst.idx.add.f32.msk $0xffff, v6  }
.Ltmp8:
0x16c: {  	[tilespmem:v12+s18+$0x0] =	vst.idx.add.f32.msk $0xffff, v7;
	(pc) =	sbr.rel @p1 .LBB2_14-.Ltmp8, $4  }
0x16d: {  	[tilespmem:v13+s18+$0x0] =	vst.idx.add.f32.msk $0xffff, v8  }
0x16e: {  	[tilespmem:v14+s18+$0x0] =	vst.idx.add.f32.msk $0xffff, v4;
	v3 =	vmov v17  }
0x16f: {  	[tilespmem:v15+s18+$0x0] =	vst.idx.add.f32.msk $0xffff, v9  }
0x170: {  	s2 =	sadd.s32 $0x80, s2;
	[tilespmem:v16+s18+$0x0] =	vst.idx.add.f32.msk $0xffff, v10  }
0x171: {  	_ =	sdelay $0x3  }
0x172: {  	[tilespmem:v3+s18+$0x0] =	vst.idx.add.f32.msk $0xffff, v2;
	s0 =	simm.s32 $0x1  }
0x173: {  	[spmem:s10] =	stream.strided.scatter [tilespmem:s18], [sflag:$0x1], $0x2800, s20, s19, $0x38;
	[tilespmem:$0x15600] =	vst v63  }
0x174: {  	_ =	swait.ge [sflag:s0], $0x2800  }
0x175: {  	[sflag:s0] =	ssyncset.done $0x0  }
0x176: {  	[sflag:s0] =	ssyncadd.s32 $0xFFFFD800  }
0x177: {  	[bflag:$0x0] =	sbarrier.arrive $0xFFFF  }
0x178: {  	[tilespmem:s21], [sflag:$0x1] =	stream.strided.gather [spmem:s11], $0x280, s20, s19, $0x38;
	[tilespmem:$0x15600] =	vst v63  }
0x179: {  	_ =	swait.ge [sflag:s0], $0x280  }
0x17a: {  	[sflag:s0] =	ssyncset.done $0x0  }
0x17b: {  	[sflag:s0] =	ssyncadd.s32 $0xFFFFFD80  }
.LBB2_16:
0x17c: {  	s1 =	sshrl.u32 s0, $0x3  }
0x17d: {  	s1 =	smul.u32 $0x50000, s1;
	_ =	sdelay $0x1  }
0x17e: {  	s2 =	sshll.u32 s0, $0x7;
	s1 =	sshra.s32 s1, $0x2  }
0x17f: {  	s2 =	sand.u32 $0x380, s2;
	s1 =	sadd.s32 s1, s11  }
0x180: {  	s1 =	sadd.s32 s2, s1  }
0x181: {  	[tilespmem:s22], [sflag:$0x1] =	stream.strided.gather [spmem:s1], $0x280, s20, s19, $0x38;
	[tilespmem:$0x15600] =	vst v63  }
0x182: {  	_ =	swait.ge [sflag:s14], $0x280  }
0x183: {  	[sflag:s14] =	ssyncset.done $0x0  }
0x184: {  	s1 =	simm.s32 $0xEFC0;
	[sflag:s14] =	ssyncadd.s32 $0xFFFFFD80  }
0x185: {  	s2 =	simm.s32 $0xED40;
	v3 =	vld [tilespmem:s1+$0x30]  }
0x186: {  	v4 =	vld [tilespmem:s2+$0x30]  }
0x187: {  	v2 =	vld [tilespmem:s2+$0xFFFFFFC0]  }
0x188: {  	v5 =	vld [tilespmem:s1+$0xFFFFFFD0]  }
0x189: {  	v6 =	vld [tilespmem:s2+$0xFFFFFFD0]  }
0x18a: {  	v7 =	vld [tilespmem:s1+$0xFFFFFFE0]  }
0x18b: {  	v8 =	vld [tilespmem:s2+$0xFFFFFFE0]  }
0x18c: {  	v9 =	vld [tilespmem:s1+$0xFFFFFFF0]  }
0x18d: {  	v10 =	vld [tilespmem:s2+$0xFFFFFFF0]  }
0x18e: {  	v11 =	vld [tilespmem:s1+$0x0]  }
0x18f: {  	v12 =	vld [tilespmem:s2+$0x0];
	v4 =	vadd.f32 v4, v3  }
0x190: {  	v6 =	vadd.f32 v6, v5;
	v3 =	vld [tilespmem:s1+$0x10]  }
0x191: {  	v7 =	vadd.f32 v8, v7;
	v5 =	vld [tilespmem:s2+$0x10];
	[tilespmem:s1+$0x30] =	vst v4  }
0x192: {  	v8 =	vadd.f32 v10, v9;
	[tilespmem:s1+$0xFFFFFFD0] =	vst v6;
	v4 =	vld [tilespmem:s1+$0x20]  }
0x193: {  	[tilespmem:s1+$0xFFFFFFE0] =	vst v7;
	v7 =	vld [tilespmem:s2+$0x20]  }
0x194: {  	s3 =	simm.s32 $0x0;
	s6 =	simm.s32 $0xF040;
	v6 =	vld [tilespmem:s1+$0xFFFFFFC0];
	[tilespmem:s1+$0xFFFFFFF0] =	vst v8;
	v8 =	vadd.f32 v12, v11  }
.LBB2_17:
0x195: {  	v9 =	vld [tilespmem:s6+$0x30];
	s2 =	sadd.s32 $0x80, s2  }
0x196: {  	s3 =	sadd.s32 $0x8, s3;
	v10 =	vld [tilespmem:s2+$0x30];
	[tilespmem:s1+$0x0] =	vst v8;
	v3 =	vadd.f32 v5, v3  }
0x197: {  	p1 =	slt.u32 s3, $0x20;
	v5 =	vld [tilespmem:s2+$0xFFFFFFC0]  }
0x198: {  	v8 =	vld [tilespmem:s6+$0xFFFFFFD0];
	[tilespmem:s1+$0x10] =	vst v3;
	v3 =	vadd.f32 v7, v4  }
0x199: {  	v4 =	vld [tilespmem:s2+$0xFFFFFFD0];
	v11 =	vadd.f32 v2, v6  }
0x19a: {  	v6 =	vld [tilespmem:s6+$0xFFFFFFE0];
	[tilespmem:s1+$0x20] =	vst v3  }
0x19b: {  	v3 =	vld [tilespmem:s2+$0xFFFFFFE0];
	v7 =	vadd.f32 v10, v9;
	[tilespmem:s1+$0xFFFFFFC0] =	vst v11;
	s1 =	smov.u32 s6  }
0x19c: {  	v9 =	vld [tilespmem:s6+$0xFFFFFFF0];
	v2 =	vmov v5  }
0x19d: {  	v10 =	vld [tilespmem:s2+$0xFFFFFFF0];
	[tilespmem:s6+$0x30] =	vst v7  }
0x19e: {  	v4 =	vadd.f32 v4, v8;
	v8 =	vld [tilespmem:s6+$0x0]  }
0x19f: {  	v11 =	vld [tilespmem:s2+$0x0]  }
.Ltmp9:
0x1a0: {  	[tilespmem:s6+$0xFFFFFFD0] =	vst v4;
	v4 =	vadd.f32 v3, v6;
	v3 =	vld [tilespmem:s6+$0x10];
	(pc) =	sbr.rel @p1 .LBB2_17-.Ltmp9, $4  }
0x1a1: {  	v5 =	vld [tilespmem:s2+$0x10]  }
0x1a2: {  	[tilespmem:s6+$0xFFFFFFE0] =	vst v4;
	v9 =	vadd.f32 v10, v9;
	v4 =	vld [tilespmem:s6+$0x20]  }
0x1a3: {  	v7 =	vld [tilespmem:s2+$0x20]  }
0x1a4: {  	s6 =	sadd.s32 $0x80, s6;
	v6 =	vld [tilespmem:s1+$0xFFFFFFC0];
	[tilespmem:s1+$0xFFFFFFF0] =	vst v9;
	v8 =	vadd.f32 v11, v8  }
0x1a5: {  	s0 =	sadd.s32 $0x1, s0  }
0x1a6: {  	p1 =	sne.s32 s0, $0x10  }
.Ltmp10:
0x1a7: {  	v3 =	vadd.f32 v5, v3;
	(pc) =	sbr.rel @p1 .LBB2_16-.Ltmp10, $4  }
0x1a8: {  	[tilespmem:s1+$0x0] =	vst v8;
	v4 =	vadd.f32 v7, v4  }
0x1a9: {  	[tilespmem:s1+$0x10] =	vst v3;
	v2 =	vadd.f32 v2, v6  }
0x1aa: {  	[tilespmem:s1+$0x20] =	vst v4  }
0x1ab: {  	[tilespmem:s1+$0xFFFFFFC0] =	vst v2  }
0x1ac: {  	[bflag:$0x0] =	sbarrier.arrive $0xFFFF  }
0x1ad: {  	s0 =	simm.s32 $0xEFA0;
	v2 =	vld [tilespmem:$0xFC00]  }
0x1ae: {  	s1 =	simm.s32 $0xF720;
	v3 =	vld [tilespmem:s0+$0x10]  }
0x1af: {  	v4 =	vld [tilespmem:s1+$0x10]  }
0x1b0: {  	s2 =	simm.s32 $0xF4A0;
	v5 =	vld [tilespmem:s0+$0xFFFFFFE0]  }
0x1b1: {  	v6 =	vld [tilespmem:s2+$0x10]  }
0x1b2: {  	v7 =	vld [tilespmem:s1+$0xFFFFFFE0]  }
0x1b3: {  	v8 =	vld [tilespmem:s0+$0xFFFFFFF0]  }
0x1b4: {  	v9 =	vld [tilespmem:s1+$0xFFFFFFF0]  }
0x1b5: {  	v10 =	vld [tilespmem:s0+$0x0]  }
0x1b6: {  	v11 =	vld [tilespmem:s1+$0x0]  }
0x1b7: {  	v12 =	vld [tilespmem:s2+$0xFFFFFFF0]  }
0x1b8: {  	v13 =	vld [tilespmem:s2+$0x0]  }
0x1b9: {  	s3 =	simm.s32 $0xEFE0;
	v14 =	vld [tilespmem:s2+$0xFFFFFFE0]  }
0x1ba: {  	s0 =	simm.s32 $0xF760;
	v3 =	vadd.f32 v4, v3;
	v4 =	vld [tilespmem:s3+$0x10]  }
0x1bb: {  	v8 =	vadd.f32 v9, v8;
	v9 =	vld [tilespmem:s0+$0x10]  }
0x1bc: {  	s1 =	simm.s32 $0xF4E0;
	v16 =	vld [tilespmem:s3+$0xFFFFFFF0];
	v5 =	vadd.f32 v7, v5;
	v15 =	vmul.f32 v3, v6  }
0x1bd: {  	v10 =	vadd.f32 v11, v10;
	v7 =	vmul.f32 v8, v12;
	v3 =	vld [tilespmem:s1+$0x10]  }
0x1be: {  	v61 =	vld [tilespmem:s0+$0xFFFFFFE0];
	v5 =	vmul.f32 v5, v14;
	v8 =	vadd.f32 v15, v2  }
0x1bf: {  	v17 =	vld [tilespmem:s0+$0xFFFFFFF0];
	v10 =	vmul.f32 v10, v13;
	v7 =	vadd.f32 v7, v2  }
0x1c0: {  	v11 =	vld [tilespmem:s3+$0xFFFFFFE0];
	v5 =	vadd.f32 v5, v2;
	v4 =	vadd.f32 v9, v4;
	v6 =	vmul.f32 v8, v6  }
0x1c1: {  	s2 =	simm.s32 $0xF9A0;
	v9 =	vld [tilespmem:s0+$0x0];
	v8 =	vadd.f32 v10, v2;
	v10 =	vmul.f32 v7, v12  }
0x1c2: {  	v7 =	vld [tilespmem:s3+$0x0];
	v63 =	vmul.f32 v5, v14;
	v62 =	vmul.f32 v4, v3;
	[tilespmem:s2+$0x10] =	vst v6  }
0x1c3: {  	v4 =	vld [tilespmem:s1+$0xFFFFFFF0];
	v6 =	vmul.f32 v8, v13;
	[tilespmem:s2+$0xFFFFFFF0] =	vst v10  }
0x1c4: {  	v5 =	vld [tilespmem:s1+$0x0];
	[tilespmem:s2+$0xFFFFFFE0] =	vst v63;
	v10 =	vadd.f32 v62, v2  }
0x1c5: {  	s6 =	simm.s32 $0xF020;
	s3 =	simm.s32 $0x4;
	v8 =	vadd.f32 v61, v11;
	v11 =	vadd.f32 v17, v16;
	[tilespmem:s2+$0x0] =	vst v6;
	v6 =	vld [tilespmem:s1+$0xFFFFFFE0]  }
.LBB2_20:
0x1c6: {  	v12 =	vld [tilespmem:s6+$0x10];
	v3 =	vmul.f32 v10, v3;
	s0 =	sadd.s32 $0x40, s0  }
0x1c7: {  	s3 =	sadd.s32 $0x4, s3;
	s2 =	sadd.s32 $0x40, s2;
	v10 =	vld [tilespmem:s0+$0x10];
	v7 =	vadd.f32 v9, v7  }
0x1c8: {  	s1 =	sadd.s32 $0x40, s1;
	p1 =	slt.u32 s3, $0x24;
	v13 =	vld [tilespmem:s6+$0xFFFFFFE0];
	v9 =	vmul.f32 v11, v4;
	[tilespmem:s2+$0x10] =	vst v3  }
0x1c9: {  	v3 =	vld [tilespmem:s1+$0x10];
	v7 =	vmul.f32 v7, v5  }
0x1ca: {  	v11 =	vld [tilespmem:s0+$0xFFFFFFE0];
	v8 =	vmul.f32 v8, v6;
	v9 =	vadd.f32 v9, v2  }
0x1cb: {  	v14 =	vld [tilespmem:s6+$0xFFFFFFF0];
	v15 =	vadd.f32 v7, v2  }
0x1cc: {  	v16 =	vld [tilespmem:s0+$0xFFFFFFF0];
	v10 =	vadd.f32 v10, v12;
	v8 =	vadd.f32 v8, v2;
	v4 =	vmul.f32 v9, v4  }
.Ltmp11:
0x1cd: {  	v7 =	vld [tilespmem:s6+$0x0];
	v5 =	vmul.f32 v15, v5;
	(pc) =	sbr.rel @p1 .LBB2_20-.Ltmp11, $4  }
0x1ce: {  	v9 =	vld [tilespmem:s0+$0x0];
	v10 =	vmul.f32 v10, v3;
	v6 =	vmul.f32 v8, v6;
	[tilespmem:s2+$0xFFFFFFF0] =	vst v4  }
0x1cf: {  	v8 =	vadd.f32 v11, v13;
	v4 =	vld [tilespmem:s1+$0xFFFFFFF0];
	[tilespmem:s2+$0x0] =	vst v5  }
0x1d0: {  	v5 =	vld [tilespmem:s1+$0x0];
	v10 =	vadd.f32 v10, v2;
	[tilespmem:s2+$0xFFFFFFE0] =	vst v6  }
0x1d1: {  	s6 =	sadd.s32 $0x40, s6;
	v6 =	vld [tilespmem:s1+$0xFFFFFFE0];
	v11 =	vadd.f32 v16, v14  }
0x1d2: {  	_ = 	snop  }
0x1d3: {  	v7 =	vadd.f32 v9, v7  }
0x1d4: {  	v62 =	vmul.f32 v11, v4  }
0x1d5: {  	v7 =	vmul.f32 v7, v5  }
0x1d6: {  	v8 =	vmul.f32 v8, v6;
	v9 =	vadd.f32 v62, v2  }
0x1d7: {  	v3 =	vmul.f32 v10, v3;
	v7 =	vadd.f32 v7, v2  }
0x1d8: {  	s0 =	sadd.s32 $0x40, s2;
	v2 =	vadd.f32 v8, v2;
	v63 =	vmul.f32 v9, v4  }
0x1d9: {  	[tilespmem:s0+$0x10] =	vst v3;
	v3 =	vmul.f32 v7, v5  }
0x1da: {  	v2 =	vmul.f32 v2, v6;
	[tilespmem:s0+$0xFFFFFFF0] =	vst v63  }
0x1db: {  	[tilespmem:s0+$0x0] =	vst v3  }
0x1dc: {  	s31 =	simm.s32 $0xF980;
	[tilespmem:s0+$0xFFFFFFE0] =	vst v2  }
0x1dd: {  	[spmem:s12] =	stream.linear.scatter [tilespmem:s31], [sflag:$0x1], $0x280, $0x38;
	[tilespmem:$0x15600] =	vst v63  }
0x1de: {  	_ =	swait.ge [sflag:s14], $0x280  }
0x1df: {  	[sflag:s14] =	ssyncset.done $0x0  }
0x1e0: {  	[sflag:s14] =	ssyncadd.s32 $0xFFFFFD80  }
0x1e1: {  	[bflag:$0x0] =	sbarrier.arrive $0xFFFF  }
0x1e2: {  	[tilespmem:s24], [sflag:$0x1] =	stream.linear.gather [spmem:s4], $0x2800, $0x38;
	[tilespmem:$0x15600] =	vst v63  }
0x1e3: {  	_ =	swait.ge [sflag:s14], $0x2800  }
0x1e4: {  	[sflag:s14] =	ssyncset.done $0x0  }
0x1e5: {  	s0 =	simm.s32 $0xC540;
	[sflag:s14] =	ssyncadd.s32 $0xFFFFD800  }
0x1e6: {  	[tilespmem:s0+$0xFFFFFFC0] =	vst v0  }
0x1e7: {  	[tilespmem:s0+$0x30] =	vst v0  }
0x1e8: {  	[tilespmem:s0+$0x20] =	vst v0  }
0x1e9: {  	[tilespmem:s0+$0x10] =	vst v0  }
0x1ea: {  	[tilespmem:s0+$0x0] =	vst v0  }
0x1eb: {  	[tilespmem:s0+$0xFFFFFFF0] =	vst v0  }
0x1ec: {  	s1 =	simm.s32 $0x0;
	[tilespmem:s0+$0xFFFFFFE0] =	vst v0  }
.LBB2_22:
0x1ed: {  	s1 =	sadd.s32 $0x8, s1;
	[tilespmem:s0+$0xFFFFFFD0] =	vst v0;
	s0 =	sadd.s32 $0x80, s0  }
0x1ee: {  	[tilespmem:s0+$0xFFFFFFC0] =	vst v0;
	p1 =	slt.u32 s1, $0x278  }
0x1ef: {  	[tilespmem:s0+$0x30] =	vst v0  }
.Ltmp12:
0x1f0: {  	[tilespmem:s0+$0x20] =	vst v0;
	(pc) =	sbr.rel @p1 .LBB2_22-.Ltmp12, $4  }
0x1f1: {  	[tilespmem:s0+$0x10] =	vst v0  }
0x1f2: {  	[tilespmem:s0+$0x0] =	vst v0  }
0x1f3: {  	[tilespmem:s0+$0xFFFFFFF0] =	vst v0  }
0x1f4: {  	s2 =	simm.s32 $0x40;
	[tilespmem:s0+$0xFFFFFFE0] =	vst v0  }
0x1f5: {  	[tilespmem:s0+$0xFFFFFFD0] =	vst v0  }
0x1f6: {  	v2 =	vld [tilespmem:s2+$0x30]  }
0x1f7: {  	v3 =	vld [tilespmem:s2+$0xFFFFFFC0]  }
0x1f8: {  	v4 =	vld [tilespmem:s2+$0xFFFFFFD0]  }
0x1f9: {  	v5 =	vld [tilespmem:s2+$0xFFFFFFE0]  }
0x1fa: {  	v6 =	vld [tilespmem:s2+$0xFFFFFFF0]  }
0x1fb: {  	s0 =	simm.s32 $0x4EC0;
	v7 =	vld [tilespmem:s2+$0x0]  }
0x1fc: {  	v8 =	vld [tilespmem:s0+$0x30]  }
0x1fd: {  	v9 =	vld [tilespmem:s2+$0x10]  }
0x1fe: {  	v11 =	vld [tilespmem:s2+$0x20]  }
0x1ff: {  	v62 =	vld [tilespmem:s0+$0xFFFFFFD0]  }
0x200: {  	v63 =	vld [tilespmem:s0+$0xFFFFFFE0]  }
0x201: {  	v12 =	vld [tilespmem:s0+$0xFFFFFFF0]  }
0x202: {  	v13 =	vld [tilespmem:s0+$0x0]  }
0x203: {  	v14 =	vld [tilespmem:s0+$0x10]  }
0x204: {  	v15 =	vld [tilespmem:s0+$0x20]  }
0x205: {  	v10 =	vld.idx.msk [tilespmem:v2+s24+$0x0], $0xffff  }
0x206: {  	v2 =	vld.idx.msk [tilespmem:v3+s24+$0x0], $0xffff  }
0x207: {  	v4 =	vld.idx.msk [tilespmem:v4+s24+$0x0], $0xffff  }
0x208: {  	v5 =	vld.idx.msk [tilespmem:v5+s24+$0x0], $0xffff  }
0x209: {  	v6 =	vld.idx.msk [tilespmem:v6+s24+$0x0], $0xffff  }
0x20a: {  	v7 =	vld.idx.msk [tilespmem:v7+s24+$0x0], $0xffff  }
0x20b: {  	v61 =	vld.idx.msk [tilespmem:v9+s24+$0x0], $0xffff  }
0x20c: {  	v11 =	vld.idx.msk [tilespmem:v11+s24+$0x0], $0xffff  }
0x20d: {  	v3 =	vld [tilespmem:s0+$0xFFFFFFC0]  }
0x20e: {  	[tilespmem:v8+s18+$0x0] =	vst.idx.add.f32.msk $0xffff, v10  }
0x20f: {  	[tilespmem:v62+s18+$0x0] =	vst.idx.add.f32.msk $0xffff, v4  }
0x210: {  	[tilespmem:v63+s18+$0x0] =	vst.idx.add.f32.msk $0xffff, v5  }
0x211: {  	[tilespmem:v12+s18+$0x0] =	vst.idx.add.f32.msk $0xffff, v6  }
0x212: {  	[tilespmem:v13+s18+$0x0] =	vst.idx.add.f32.msk $0xffff, v7  }
0x213: {  	[tilespmem:v14+s18+$0x0] =	vst.idx.add.f32.msk $0xffff, v61  }
0x214: {  	s1 =	simm.s32 $0x0;
	s2 =	simm.s32 $0xC0;
	[tilespmem:v15+s18+$0x0] =	vst.idx.add.f32.msk $0xffff, v11  }
.LBB2_24:
0x215: {  	v4 =	vld [tilespmem:s2+$0x30];
	s1 =	sadd.s32 $0x8, s1  }
0x216: {  	v5 =	vld [tilespmem:s2+$0xFFFFFFC0];
	p1 =	slt.u32 s1, $0x4E0  }
0x217: {  	v6 =	vld [tilespmem:s2+$0xFFFFFFD0]  }
0x218: {  	v7 =	vld [tilespmem:s2+$0xFFFFFFE0]  }
0x219: {  	v8 =	vld [tilespmem:s2+$0xFFFFFFF0]  }
0x21a: {  	s0 =	sadd.s32 $0x80, s0;
	v9 =	vld [tilespmem:s2+$0x0]  }
0x21b: {  	v10 =	vld [tilespmem:s0+$0x30]  }
0x21c: {  	v11 =	vld [tilespmem:s2+$0x10]  }
0x21d: {  	v4 =	vld.idx.msk [tilespmem:v4+s24+$0x0], $0xffff  }
0x21e: {  	v12 =	vld [tilespmem:s2+$0x20]  }
0x21f: {  	v5 =	vld.idx.msk [tilespmem:v5+s24+$0x0], $0xffff  }
0x220: {  	v6 =	vld.idx.msk [tilespmem:v6+s24+$0x0], $0xffff  }
0x221: {  	v7 =	vld.idx.msk [tilespmem:v7+s24+$0x0], $0xffff  }
0x222: {  	v8 =	vld.idx.msk [tilespmem:v8+s24+$0x0], $0xffff  }
0x223: {  	[tilespmem:v10+s18+$0x0] =	vst.idx.add.f32.msk $0xffff, v4  }
0x224: {  	v4 =	vld.idx.msk [tilespmem:v9+s24+$0x0], $0xffff  }
0x225: {  	v9 =	vld.idx.msk [tilespmem:v11+s24+$0x0], $0xffff  }
0x226: {  	v10 =	vld.idx.msk [tilespmem:v12+s24+$0x0], $0xffff  }
0x227: {  	v11 =	vld [tilespmem:s0+$0xFFFFFFD0]  }
0x228: {  	v12 =	vld [tilespmem:s0+$0xFFFFFFE0]  }
0x229: {  	v13 =	vld [tilespmem:s0+$0xFFFFFFF0]  }
0x22a: {  	v14 =	vld [tilespmem:s0+$0x0]  }
0x22b: {  	v15 =	vld [tilespmem:s0+$0x10]  }
0x22c: {  	v16 =	vld [tilespmem:s0+$0x20]  }
0x22d: {  	v17 =	vld [tilespmem:s0+$0xFFFFFFC0]  }
0x22e: {  	[tilespmem:v3+s18+$0x0] =	vst.idx.add.f32.msk $0xffff, v2;
	v2 =	vmov v5  }
0x22f: {  	[tilespmem:v11+s18+$0x0] =	vst.idx.add.f32.msk $0xffff, v6  }
.Ltmp13:
0x230: {  	[tilespmem:v12+s18+$0x0] =	vst.idx.add.f32.msk $0xffff, v7;
	(pc) =	sbr.rel @p1 .LBB2_24-.Ltmp13, $4  }
0x231: {  	[tilespmem:v13+s18+$0x0] =	vst.idx.add.f32.msk $0xffff, v8  }
0x232: {  	[tilespmem:v14+s18+$0x0] =	vst.idx.add.f32.msk $0xffff, v4;
	v3 =	vmov v17  }
0x233: {  	[tilespmem:v15+s18+$0x0] =	vst.idx.add.f32.msk $0xffff, v9  }
0x234: {  	s2 =	sadd.s32 $0x80, s2;
	[tilespmem:v16+s18+$0x0] =	vst.idx.add.f32.msk $0xffff, v10  }
0x235: {  	_ =	sdelay $0x3  }
0x236: {  	[tilespmem:v3+s18+$0x0] =	vst.idx.add.f32.msk $0xffff, v2;
	s0 =	simm.s32 $0x1  }
0x237: {  	[spmem:s10] =	stream.strided.scatter [tilespmem:s18], [sflag:$0x1], $0x2800, s20, s19, $0x38;
	[tilespmem:$0x15600] =	vst v63  }
0x238: {  	_ =	swait.ge [sflag:s0], $0x2800  }
0x239: {  	[sflag:s0] =	ssyncset.done $0x0  }
0x23a: {  	[sflag:s0] =	ssyncadd.s32 $0xFFFFD800  }
0x23b: {  	[bflag:$0x0] =	sbarrier.arrive $0xFFFF  }
0x23c: {  	[tilespmem:s21], [sflag:$0x1] =	stream.strided.gather [spmem:s11], $0x280, s20, s19, $0x38;
	[tilespmem:$0x15600] =	vst v63  }
0x23d: {  	_ =	swait.ge [sflag:s0], $0x280  }
0x23e: {  	[sflag:s0] =	ssyncset.done $0x0  }
0x23f: {  	[sflag:s0] =	ssyncadd.s32 $0xFFFFFD80  }
.LBB2_26:
0x240: {  	s1 =	sshrl.u32 s0, $0x3  }
0x241: {  	s1 =	smul.u32 $0x50000, s1;
	_ =	sdelay $0x1  }
0x242: {  	s2 =	sshll.u32 s0, $0x7;
	s1 =	sshra.s32 s1, $0x2  }
0x243: {  	s2 =	sand.u32 $0x380, s2;
	s1 =	sadd.s32 s1, s11  }
0x244: {  	s1 =	sadd.s32 s2, s1  }
0x245: {  	[tilespmem:s22], [sflag:$0x1] =	stream.strided.gather [spmem:s1], $0x280, s20, s19, $0x38;
	[tilespmem:$0x15600] =	vst v63  }
0x246: {  	_ =	swait.ge [sflag:s14], $0x280  }
0x247: {  	[sflag:s14] =	ssyncset.done $0x0  }
0x248: {  	s1 =	simm.s32 $0xEFC0;
	[sflag:s14] =	ssyncadd.s32 $0xFFFFFD80  }
0x249: {  	s2 =	simm.s32 $0xED40;
	v3 =	vld [tilespmem:s1+$0x30]  }
0x24a: {  	v4 =	vld [tilespmem:s2+$0x30]  }
0x24b: {  	v2 =	vld [tilespmem:s2+$0xFFFFFFC0]  }
0x24c: {  	v5 =	vld [tilespmem:s1+$0xFFFFFFD0]  }
0x24d: {  	v6 =	vld [tilespmem:s2+$0xFFFFFFD0]  }
0x24e: {  	v7 =	vld [tilespmem:s1+$0xFFFFFFE0]  }
0x24f: {  	v8 =	vld [tilespmem:s2+$0xFFFFFFE0]  }
0x250: {  	v9 =	vld [tilespmem:s1+$0xFFFFFFF0]  }
0x251: {  	v10 =	vld [tilespmem:s2+$0xFFFFFFF0]  }
0x252: {  	v11 =	vld [tilespmem:s1+$0x0]  }
0x253: {  	v12 =	vld [tilespmem:s2+$0x0];
	v4 =	vadd.f32 v4, v3  }
0x254: {  	v6 =	vadd.f32 v6, v5;
	v3 =	vld [tilespmem:s1+$0x10]  }
0x255: {  	v7 =	vadd.f32 v8, v7;
	v5 =	vld [tilespmem:s2+$0x10];
	[tilespmem:s1+$0x30] =	vst v4  }
0x256: {  	v8 =	vadd.f32 v10, v9;
	[tilespmem:s1+$0xFFFFFFD0] =	vst v6;
	v4 =	vld [tilespmem:s1+$0x20]  }
0x257: {  	[tilespmem:s1+$0xFFFFFFE0] =	vst v7;
	v7 =	vld [tilespmem:s2+$0x20]  }
0x258: {  	s3 =	simm.s32 $0x0;
	s6 =	simm.s32 $0xF040;
	v6 =	vld [tilespmem:s1+$0xFFFFFFC0];
	[tilespmem:s1+$0xFFFFFFF0] =	vst v8;
	v8 =	vadd.f32 v12, v11  }
.LBB2_27:
0x259: {  	v9 =	vld [tilespmem:s6+$0x30];
	s2 =	sadd.s32 $0x80, s2  }
0x25a: {  	s3 =	sadd.s32 $0x8, s3;
	v10 =	vld [tilespmem:s2+$0x30];
	[tilespmem:s1+$0x0] =	vst v8;
	v3 =	vadd.f32 v5, v3  }
0x25b: {  	p1 =	slt.u32 s3, $0x20;
	v5 =	vld [tilespmem:s2+$0xFFFFFFC0]  }
0x25c: {  	v8 =	vld [tilespmem:s6+$0xFFFFFFD0];
	[tilespmem:s1+$0x10] =	vst v3;
	v3 =	vadd.f32 v7, v4  }
0x25d: {  	v4 =	vld [tilespmem:s2+$0xFFFFFFD0];
	v11 =	vadd.f32 v2, v6  }
0x25e: {  	v6 =	vld [tilespmem:s6+$0xFFFFFFE0];
	[tilespmem:s1+$0x20] =	vst v3  }
0x25f: {  	v3 =	vld [tilespmem:s2+$0xFFFFFFE0];
	v7 =	vadd.f32 v10, v9;
	[tilespmem:s1+$0xFFFFFFC0] =	vst v11;
	s1 =	smov.u32 s6  }
0x260: {  	v9 =	vld [tilespmem:s6+$0xFFFFFFF0];
	v2 =	vmov v5  }
0x261: {  	v10 =	vld [tilespmem:s2+$0xFFFFFFF0];
	[tilespmem:s6+$0x30] =	vst v7  }
0x262: {  	v4 =	vadd.f32 v4, v8;
	v8 =	vld [tilespmem:s6+$0x0]  }
0x263: {  	v11 =	vld [tilespmem:s2+$0x0]  }
.Ltmp14:
0x264: {  	[tilespmem:s6+$0xFFFFFFD0] =	vst v4;
	v4 =	vadd.f32 v3, v6;
	v3 =	vld [tilespmem:s6+$0x10];
	(pc) =	sbr.rel @p1 .LBB2_27-.Ltmp14, $4  }
0x265: {  	v5 =	vld [tilespmem:s2+$0x10]  }
0x266: {  	[tilespmem:s6+$0xFFFFFFE0] =	vst v4;
	v9 =	vadd.f32 v10, v9;
	v4 =	vld [tilespmem:s6+$0x20]  }
0x267: {  	v7 =	vld [tilespmem:s2+$0x20]  }
0x268: {  	s6 =	sadd.s32 $0x80, s6;
	v6 =	vld [tilespmem:s1+$0xFFFFFFC0];
	[tilespmem:s1+$0xFFFFFFF0] =	vst v9;
	v8 =	vadd.f32 v11, v8  }
0x269: {  	s0 =	sadd.s32 $0x1, s0  }
0x26a: {  	p1 =	sne.s32 s0, $0x10  }
.Ltmp15:
0x26b: {  	v3 =	vadd.f32 v5, v3;
	(pc) =	sbr.rel @p1 .LBB2_26-.Ltmp15, $4  }
0x26c: {  	[tilespmem:s1+$0x0] =	vst v8;
	v4 =	vadd.f32 v7, v4  }
0x26d: {  	[tilespmem:s1+$0x10] =	vst v3;
	v2 =	vadd.f32 v2, v6  }
0x26e: {  	[tilespmem:s1+$0x20] =	vst v4  }
0x26f: {  	[tilespmem:s1+$0xFFFFFFC0] =	vst v2  }
0x270: {  	[bflag:$0x0] =	sbarrier.arrive $0xFFFF  }
0x271: {  	s2 =	simm.s32 $0xEFA0;
	v2 =	vld [tilespmem:$0xFC10]  }
0x272: {  	s0 =	simm.s32 $0xF9A0;
	v3 =	vld [tilespmem:s2+$0x10]  }
0x273: {  	v4 =	vld [tilespmem:s0+$0x10]  }
0x274: {  	s1 =	simm.s32 $0xF4A0;
	v6 =	vld [tilespmem:s2+$0xFFFFFFE0]  }
0x275: {  	v7 =	vld [tilespmem:s1+$0x10]  }
0x276: {  	v8 =	vld [tilespmem:s0+$0xFFFFFFE0]  }
0x277: {  	v10 =	vld [tilespmem:s2+$0xFFFFFFF0]  }
0x278: {  	v11 =	vld [tilespmem:s0+$0xFFFFFFF0];
	v3 =	vadd.f32 v4, v3  }
0x279: {  	v5 =	vld [tilespmem:s0+$0x0]  }
0x27a: {  	v4 =	vld [tilespmem:s2+$0x0];
	v9 =	vmul.f32 v3, v7  }
0x27b: {  	v7 =	vld [tilespmem:s1+$0xFFFFFFF0]  }
0x27c: {  	v3 =	vadd.f32 v8, v6;
	v6 =	vld [tilespmem:s1+$0x0];
	v9 =	vadd.f32 v9, v2  }
0x27d: {  	s3 =	simm.s32 $0x0;
	s6 =	simm.s32 $0xEFE0;
	s2 =	simm.s32 $0xF720;
	v10 =	vadd.f32 v11, v10;
	v8 =	vld [tilespmem:s1+$0xFFFFFFE0]  }
.LBB2_30:
0x27e: {  	v11 =	vld [tilespmem:s6+$0x10];
	[tilespmem:s2+$0x10] =	vst v9;
	s0 =	sadd.s32 $0x40, s0  }
0x27f: {  	s3 =	sadd.s32 $0x4, s3;
	v9 =	vld [tilespmem:s0+$0x10];
	v4 =	vadd.f32 v5, v4  }
0x280: {  	s1 =	sadd.s32 $0x40, s1;
	p1 =	slt.u32 s3, $0x24;
	v12 =	vld [tilespmem:s6+$0xFFFFFFE0];
	v5 =	vmul.f32 v10, v7  }
0x281: {  	v7 =	vld [tilespmem:s1+$0x10];
	v4 =	vmul.f32 v4, v6  }
0x282: {  	v6 =	vld [tilespmem:s0+$0xFFFFFFE0];
	v3 =	vmul.f32 v3, v8;
	v5 =	vadd.f32 v5, v2  }
0x283: {  	v10 =	vld [tilespmem:s6+$0xFFFFFFF0];
	v8 =	vadd.f32 v4, v2  }
0x284: {  	v13 =	vld [tilespmem:s0+$0xFFFFFFF0];
	v9 =	vadd.f32 v9, v11;
	v3 =	vadd.f32 v3, v2;
	[tilespmem:s2+$0xFFFFFFF0] =	vst v5  }
.Ltmp16:
0x285: {  	v4 =	vld [tilespmem:s6+$0x0];
	[tilespmem:s2+$0x0] =	vst v8;
	(pc) =	sbr.rel @p1 .LBB2_30-.Ltmp16, $4  }
0x286: {  	v5 =	vld [tilespmem:s0+$0x0];
	v8 =	vmul.f32 v9, v7;
	[tilespmem:s2+$0xFFFFFFE0] =	vst v3  }
0x287: {  	v3 =	vadd.f32 v6, v12;
	v7 =	vld [tilespmem:s1+$0xFFFFFFF0]  }
0x288: {  	v6 =	vld [tilespmem:s1+$0x0];
	v9 =	vadd.f32 v8, v2  }
0x289: {  	s6 =	sadd.s32 $0x40, s6;
	s2 =	sadd.s32 $0x40, s2;
	v8 =	vld [tilespmem:s1+$0xFFFFFFE0];
	v10 =	vadd.f32 v13, v10  }
0x28a: {  	_ = 	snop  }
0x28b: {  	v4 =	vadd.f32 v5, v4  }
0x28c: {  	v63 =	vmul.f32 v10, v7  }
0x28d: {  	v4 =	vmul.f32 v4, v6  }
0x28e: {  	v3 =	vmul.f32 v3, v8;
	v5 =	vadd.f32 v63, v2  }
0x28f: {  	[tilespmem:s2+$0x10] =	vst v9;
	v4 =	vadd.f32 v4, v2  }
0x290: {  	v2 =	vadd.f32 v3, v2;
	[tilespmem:s2+$0xFFFFFFF0] =	vst v5  }
0x291: {  	[tilespmem:s2+$0x0] =	vst v4  }
0x292: {  	[tilespmem:s2+$0xFFFFFFE0] =	vst v2  }
0x293: {  	[spmem:s12] =	stream.linear.scatter [tilespmem:s15], [sflag:$0x1], $0x280, $0x38;
	[tilespmem:$0x15600] =	vst v63  }
.Ltmp17:
0x294: {  	_ =	swait.ge [sflag:s14], $0x280;
	(pc) =	sbr.rel @p0 .LBB2_45-.Ltmp17, $3  }
0x295: {  	[sflag:s14] =	ssyncset.done $0x0  }
0x296: {  	[sflag:s14] =	ssyncadd.s32 $0xFFFFFD80  }
0x297: {  	[bflag:$0x0] =	sbarrier.arrive $0xFFFF;
	_ =	sdelay $0x1  }
0x298: {  	[tilespmem:s24], [sflag:$0x1] =	stream.linear.gather [spmem:s4], $0x2800, $0x38;
	[tilespmem:$0x15600] =	vst v63  }
0x299: {  	_ =	swait.ge [sflag:s14], $0x2800  }
0x29a: {  	[sflag:s14] =	ssyncset.done $0x0  }
0x29b: {  	[sflag:s14] =	ssyncadd.s32 $0xFFFFD800  }
0x29c: {  	s1 =	simm.s32 $0xFC80;
	s0 =	rddreg [dreg:$0x1]  }
0x29d: {  	[tilespmem:s1], [sflag:$0x1] =	stream.linear.gather [hbm4b:s0+s5], $0x1780, $0x38;
	[tilespmem:$0x15600] =	vst v63  }
0x29e: {  	_ =	swait.ge [sflag:s14], $0x1780  }
0x29f: {  	[sflag:s14] =	ssyncset.done $0x0  }
0x2a0: {  	s31 =	simm.s32 $0xFCC0;
	[sflag:s14] =	ssyncadd.s32 $0xFFFFE880  }
0x2a1: {  	v2 =	vld [tilespmem:s31+$0xFFFFFFC0]  }
0x2a2: {  	v3 =	vld [tilespmem:s31+$0xFFFFFFD0]  }
0x2a3: {  	v4 =	vld [tilespmem:s31+$0xFFFFFFE0]  }
0x2a4: {  	v5 =	vld [tilespmem:s31+$0xFFFFFFF0]  }
0x2a5: {  	v6 =	vld [tilespmem:s31+$0x0]  }
0x2a6: {  	v8 =	vld [tilespmem:s31+$0x10]  }
0x2a7: {  	v9 =	vld [tilespmem:s31+$0x20]  }
0x2a8: {  	v10 =	vld [tilespmem:s31+$0x30]  }
0x2a9: {  	v11 =	vld.idx.msk [tilespmem:v2+s24+$0x0], $0xffff  }
0x2aa: {  	v12 =	vld.idx.msk [tilespmem:v3+s24+$0x0], $0xffff  }
0x2ab: {  	v7 =	vld.idx.msk [tilespmem:v4+s24+$0x0], $0xffff  }
0x2ac: {  	v5 =	vld.idx.msk [tilespmem:v5+s24+$0x0], $0xffff  }
0x2ad: {  	v3 =	vld.idx.msk [tilespmem:v6+s24+$0x0], $0xffff  }
0x2ae: {  	s0 =	simm.s32 $0x11440;
	v4 =	vimm.f32 $-1.000000020e+30;
	v2 =	vld.idx.msk [tilespmem:v8+s24+$0x0], $0xffff  }
0x2af: {  	[tilespmem:s0+$0xFFFFFFC0] =	vst v11;
	v6 =	vmax.f32 v4, v11;
	v4 =	vld.idx.msk [tilespmem:v9+s24+$0x0], $0xffff  }
0x2b0: {  	s2 =	simm.s32 $0xFD40;
	s1 =	simm.s32 $0x0;
	[tilespmem:s0+$0xFFFFFFD0] =	vst v12;
	v8 =	vmax.f32 v6, v12;
	v6 =	vld.idx.msk [tilespmem:v10+s24+$0x0], $0xffff  }
.LBB2_33:
0x2b1: {  	v9 =	vld [tilespmem:s2+$0xFFFFFFC0];
	s1 =	sadd.s32 $0x8, s1;
	[tilespmem:s0+$0xFFFFFFE0] =	vst v7;
	v7 =	vmax.f32 v8, v7  }
0x2b2: {  	v8 =	vld [tilespmem:s2+$0xFFFFFFD0];
	p1 =	slt.u32 s1, $0x168;
	[tilespmem:s0+$0xFFFFFFF0] =	vst v5;
	v5 =	vmax.f32 v7, v5  }
0x2b3: {  	v7 =	vld [tilespmem:s2+$0xFFFFFFE0];
	[tilespmem:s0+$0x0] =	vst v3;
	v3 =	vmax.f32 v5, v3  }
0x2b4: {  	v5 =	vld [tilespmem:s2+$0xFFFFFFF0];
	[tilespmem:s0+$0x10] =	vst v2;
	v2 =	vmax.f32 v3, v2  }
0x2b5: {  	v3 =	vld [tilespmem:s2+$0x0];
	[tilespmem:s0+$0x20] =	vst v4;
	v2 =	vmax.f32 v2, v4  }
0x2b6: {  	v4 =	vld [tilespmem:s2+$0x10];
	[tilespmem:s0+$0x30] =	vst v6;
	v6 =	vmax.f32 v2, v6  }
0x2b7: {  	v10 =	vld [tilespmem:s2+$0x20]  }
0x2b8: {  	v11 =	vld [tilespmem:s2+$0x30]  }
0x2b9: {  	v9 =	vld.idx.msk [tilespmem:v9+s24+$0x0], $0xffff  }
0x2ba: {  	v8 =	vld.idx.msk [tilespmem:v8+s24+$0x0], $0xffff  }
0x2bb: {  	v7 =	vld.idx.msk [tilespmem:v7+s24+$0x0], $0xffff  }
.Ltmp18:
0x2bc: {  	v5 =	vld.idx.msk [tilespmem:v5+s24+$0x0], $0xffff;
	(pc) =	sbr.rel @p1 .LBB2_33-.Ltmp18, $4  }
0x2bd: {  	v3 =	vld.idx.msk [tilespmem:v3+s24+$0x0], $0xffff  }
0x2be: {  	s0 =	sadd.s32 $0x80, s0;
	v2 =	vld.idx.msk [tilespmem:v4+s24+$0x0], $0xffff  }
0x2bf: {  	v6 =	vmax.f32 v6, v9;
	[tilespmem:s0+$0xFFFFFFC0] =	vst v9;
	v4 =	vld.idx.msk [tilespmem:v10+s24+$0x0], $0xffff  }
0x2c0: {  	s2 =	sadd.s32 $0x80, s2;
	[tilespmem:s0+$0xFFFFFFD0] =	vst v8;
	v8 =	vmax.f32 v6, v8;
	v6 =	vld.idx.msk [tilespmem:v11+s24+$0x0], $0xffff  }
0x2c1: {  	[tilespmem:s0+$0xFFFFFFE0] =	vst v7;
	v62 =	vmax.f32 v8, v7  }
0x2c2: {  	[tilespmem:s0+$0xFFFFFFF0] =	vst v5;
	v63 =	vmax.f32 v62, v5  }
0x2c3: {  	[tilespmem:s0+$0x0] =	vst v3;
	v3 =	vmax.f32 v63, v3  }
0x2c4: {  	[tilespmem:s0+$0x10] =	vst v2;
	v2 =	vmax.f32 v3, v2  }
0x2c5: {  	[tilespmem:s0+$0x20] =	vst v4;
	v2 =	vmax.f32 v2, v4  }
0x2c6: {  	[tilespmem:s0+$0x30] =	vst v6;
	s0 =	simm.s32 $0x0;
	v2 =	vmax.f32 v2, v6  }
.LBB2_35:
0x2c7: {  	s1 =	sshra.s32 s0, $0x2  }
0x2c8: {  	v3 =	vld [tilespmem:s1+$0x11380];
	_ =	sdelay $0x7  }
0x2c9: {  	p1 =	sne.s32 s0, $0x180;
	v3 =	vld.idx.msk [tilespmem:v3+s24+$0x0], $0xffff  }
.Ltmp19:
0x2ca: {  	_ = 	snop;
	(pc) =	sbr.rel @p1 .LBB2_35-.Ltmp19, $2  }
0x2cb: {  	_ =	sdelay $0x2  }
0x2cc: {  	s0 =	sadd.s32 $0x40, s0;
	[tilespmem:s1+$0x12B00] =	vst v3;
	v2 =	vmax.f32 v2, v3  }
0x2cd: {  	(xrf0) =	vmax.scan.msk.f32 $0xffff, v2;
	_ =	sdelay $0x2  }
0x2ce: {  	s0 =	simm.s32 $0x11440  }
0x2cf: {  	v3 =	vld [tilespmem:s0+$0xFFFFFFC0];
	_ =	sdelay $0x1  }
0x2d0: {  	v4 =	vld [tilespmem:s0+$0xFFFFFFD0];
	v2, _, _ =	vpop (xrf0)  }
0x2d1: {  	v2 =	vbroadcast v2, $0xF  }
0x2d2: {  	v5 =	vld [tilespmem:s0+$0xFFFFFFE0]  }
0x2d3: {  	v6 =	vld [tilespmem:s0+$0xFFFFFFF0];
	v3 =	vsub.f32 v3, v2;
	_ =	sdelay $0x1  }
0x2d4: {  	v4 =	vsub.f32 v4, v2;
	v3 =	vmul.f32 $1.442695020e+00, v3  }
0x2d5: {  	v7 =	vld [tilespmem:s0+$0x0]  }
0x2d6: {  	v5 =	vsub.f32 v5, v2;
	v4 =	vmul.f32 $1.442695020e+00, v4;
	(erf) = vpow2.f32 v3  }
0x2d7: {  	v6 =	vsub.f32 v6, v2;
	v3 =	vld [tilespmem:s0+$0x10]  }
0x2d8: {  	v8 =	vld [tilespmem:s0+$0x20];
	v5 =	vmul.f32 $1.442695020e+00, v5;
	(erf) = vpow2.f32 v4  }
0x2d9: {  	v6 =	vmul.f32 $1.442695020e+00, v6  }
0x2da: {  	v4 =	vsub.f32 v7, v2;
	(erf) = vpow2.f32 v5  }
0x2db: {  	s1 =	simm.s32 $0x114C0;
	(erf) = vpow2.f32 v6;
	v6 =	vld [tilespmem:s0+$0x30]  }
0x2dc: {  	v7 =	vld [tilespmem:s1+$0xFFFFFFC0];
	v4 =	vmul.f32 $1.442695020e+00, v4;
	v3 =	vsub.f32 v3, v2  }
0x2dd: {  	v5 =	vsub.f32 v8, v2  }
0x2de: {  	v9 =	vld [tilespmem:s1+$0xFFFFFFD0];
	(erf) = vpow2.f32 v4;
	v3 =	vmul.f32 $1.442695020e+00, v3  }
0x2df: {  	v5 =	vmul.f32 $1.442695020e+00, v5;
	v4 =	vimm.f32 $0.0e+00;
	v8 =	vpop (erf)  }
0x2e0: {  	v6 =	vsub.f32 v6, v2;
	(erf) = vpow2.f32 v3;
	v4 =	vadd.f32 v8, v4  }
0x2e1: {  	v7 =	vsub.f32 v7, v2;
	v3 =	vld [tilespmem:s1+$0xFFFFFFE0];
	v10 =	vpop (erf)  }
0x2e2: {  	(erf) = vpow2.f32 v5;
	v5 =	vld [tilespmem:s1+$0xFFFFFFF0];
	v6 =	vmul.f32 $1.442695020e+00, v6;
	v4 =	vadd.f32 v10, v4  }
0x2e3: {  	[tilespmem:s0+$0xFFFFFFC0] =	vst v8;
	v8 =	vsub.f32 v9, v2;
	v11 =	vpop (erf)  }
0x2e4: {  	v12 =	vld [tilespmem:s1+$0x0];
	v7 =	vmul.f32 $1.442695020e+00, v7;
	v9 =	vpop (erf);
	(erf) = vpow2.f32 v6;
	v4 =	vadd.f32 v11, v4  }
0x2e5: {  	v6 =	vmul.f32 $1.442695020e+00, v8  }
0x2e6: {  	v13 =	vld [tilespmem:s1+$0x10];
	(erf) = vpow2.f32 v7;
	v3 =	vsub.f32 v3, v2;
	v4 =	vadd.f32 v9, v4  }
0x2e7: {  	[tilespmem:s0+$0xFFFFFFD0] =	vst v10;
	v8 =	vpop (erf);
	v5 =	vsub.f32 v5, v2  }
0x2e8: {  	[tilespmem:s0+$0xFFFFFFF0] =	vst v9;
	(erf) = vpow2.f32 v6;
	v7 =	vmul.f32 $1.442695020e+00, v3;
	v3 =	vld [tilespmem:s1+$0x20];
	v9 =	vadd.f32 v8, v4  }
0x2e9: {  	[tilespmem:s0+$0xFFFFFFE0] =	vst v11;
	v6 =	vsub.f32 v12, v2;
	v10 =	vpop (erf)  }
0x2ea: {  	[tilespmem:s0+$0x0] =	vst v8;
	v8 =	vmul.f32 $1.442695020e+00, v5;
	v4 =	vld [tilespmem:s1+$0x30];
	(erf) = vpow2.f32 v7;
	v9 =	vadd.f32 v10, v9  }
0x2eb: {  	s2 =	simm.s32 $0x8;
	s3 =	simm.s32 $0x11540;
	v7 =	vsub.f32 v13, v2;
	[tilespmem:s0+$0x10] =	vst v10;
	v5 =	vpop (erf)  }
.LBB2_37:
0x2ec: {  	v10 =	vld [tilespmem:s3+$0xFFFFFFC0];
	v11 =	vmul.f32 $1.442695020e+00, v6;
	(erf) = vpow2.f32 v8;
	[tilespmem:s0+$0x20] =	vst v5;
	v5 =	vadd.f32 v5, v9  }
0x2ed: {  	s2 =	sadd.s32 $0x8, s2;
	v3 =	vsub.f32 v3, v2;
	v8 =	vpop (erf)  }
0x2ee: {  	p1 =	slt.u32 s2, $0x168;
	v12 =	vmul.f32 $1.442695020e+00, v7;
	v9 =	vld [tilespmem:s3+$0xFFFFFFD0];
	(erf) = vpow2.f32 v11;
	[tilespmem:s0+$0x30] =	vst v8;
	v5 =	vadd.f32 v8, v5;
	s0 =	smov.u32 s1  }
0x2ef: {  	s1 =	smov.u32 s3;
	v4 =	vsub.f32 v4, v2;
	v6 =	vpop (erf)  }
0x2f0: {  	v3 =	vmul.f32 $1.442695020e+00, v3;
	v8 =	vld [tilespmem:s3+$0xFFFFFFE0];
	[tilespmem:s0+$0xFFFFFFC0] =	vst v6;
	v5 =	vadd.f32 v6, v5;
	(erf) = vpow2.f32 v12  }
0x2f1: {  	v6 =	vsub.f32 v10, v2;
	v7 =	vpop (erf)  }
0x2f2: {  	v4 =	vmul.f32 $1.442695020e+00, v4;
	v10 =	vld [tilespmem:s3+$0xFFFFFFF0];
	[tilespmem:s0+$0xFFFFFFD0] =	vst v7;
	v5 =	vadd.f32 v7, v5;
	(erf) = vpow2.f32 v3  }
0x2f3: {  	v3 =	vsub.f32 v9, v2;
	v7 =	vpop (erf)  }
0x2f4: {  	v12 =	vmul.f32 $1.442695020e+00, v6;
	v9 =	vld [tilespmem:s3+$0x0];
	[tilespmem:s0+$0xFFFFFFE0] =	vst v7;
	v5 =	vadd.f32 v7, v5;
	(erf) = vpow2.f32 v4  }
0x2f5: {  	v4 =	vsub.f32 v8, v2;
	v7 =	vpop (erf)  }
0x2f6: {  	v8 =	vmul.f32 $1.442695020e+00, v3;
	v11 =	vld [tilespmem:s3+$0x10];
	(erf) = vpow2.f32 v12;
	[tilespmem:s0+$0xFFFFFFF0] =	vst v7;
	v5 =	vadd.f32 v7, v5  }
.Ltmp20:
0x2f7: {  	v7 =	vsub.f32 v10, v2;
	v6 =	vpop (erf);
	(pc) =	sbr.rel @p1 .LBB2_37-.Ltmp20, $4  }
0x2f8: {  	v10 =	vmul.f32 $1.442695020e+00, v4;
	v3 =	vld [tilespmem:s3+$0x20];
	(erf) = vpow2.f32 v8;
	[tilespmem:s0+$0x0] =	vst v6;
	v12 =	vadd.f32 v6, v5  }
0x2f9: {  	v6 =	vsub.f32 v9, v2;
	v9 =	vpop (erf)  }
0x2fa: {  	v8 =	vmul.f32 $1.442695020e+00, v7;
	v4 =	vld [tilespmem:s3+$0x30];
	(erf) = vpow2.f32 v10;
	[tilespmem:s0+$0x10] =	vst v9;
	v9 =	vadd.f32 v9, v12  }
0x2fb: {  	s3 =	sadd.s32 $0x80, s3;
	v7 =	vsub.f32 v11, v2;
	v5 =	vpop (erf)  }
0x2fc: {  	v6 =	vmul.f32 $1.442695020e+00, v6;
	(erf) = vpow2.f32 v8;
	v58 =	vadd.f32 v5, v9  }
0x2fd: {  	v3 =	vsub.f32 v3, v2;
	v59 =	vpop (erf)  }
0x2fe: {  	v7 =	vmul.f32 $1.442695020e+00, v7;
	(erf) = vpow2.f32 v6;
	v60 =	vadd.f32 v59, v58  }
0x2ff: {  	v4 =	vsub.f32 v4, v2;
	v61 =	vpop (erf);
	v3 =	vmul.f32 $1.442695020e+00, v3  }
0x300: {  	(erf) = vpow2.f32 v7;
	v6 =	vadd.f32 v61, v60  }
0x301: {  	v62 =	vpop (erf);
	v4 =	vmul.f32 $1.442695020e+00, v4  }
0x302: {  	v6 =	vadd.f32 v62, v6  }
0x303: {  	(erf) = vpow2.f32 v3;
	v3 =	vpop (erf)  }
0x304: {  	v6 =	vadd.f32 v3, v6  }
0x305: {  	(erf) = vpow2.f32 v4;
	v4 =	vpop (erf)  }
0x306: {  	[tilespmem:s0+$0x20] =	vst v5;
	v5 =	vadd.f32 v4, v6  }
0x307: {  	[tilespmem:s0+$0x30] =	vst v59;
	v63 =	vpop (erf)  }
0x308: {  	[tilespmem:s1+$0xFFFFFFC0] =	vst v61;
	v5 =	vadd.f32 v63, v5  }
0x309: {  	[tilespmem:s1+$0xFFFFFFE0] =	vst v3;
	v3 =	vpop (erf)  }
0x30a: {  	[tilespmem:s1+$0xFFFFFFF0] =	vst v4;
	v4 =	vadd.f32 v3, v5  }
0x30b: {  	[tilespmem:s1+$0xFFFFFFD0] =	vst v62  }
0x30c: {  	[tilespmem:s1+$0x0] =	vst v63;
	v5 =	vpop (erf)  }
0x30d: {  	[tilespmem:s1+$0x10] =	vst v3;
	v3 =	vadd.f32 v5, v4  }
0x30e: {  	[tilespmem:s1+$0x20] =	vst v5;
	v4 =	vpop (erf)  }
0x30f: {  	s0 =	simm.s32 $0x0;
	[tilespmem:s1+$0x30] =	vst v4;
	v3 =	vadd.f32 v4, v3  }
.LBB2_39:
0x310: {  	s1 =	sshra.s32 s0, $0x2  }
0x311: {  	v4 =	vld [tilespmem:s1+$0x12B00];
	_ =	sdelay $0x4  }
0x312: {  	v4 =	vsub.f32 v4, v2;
	_ =	sdelay $0x1  }
0x313: {  	v4 =	vmul.f32 $1.442695020e+00, v4;
	_ =	sdelay $0x1  }
0x314: {  	(erf) = vpow2.f32 v4;
	_ =	sdelay $0x4  }
0x315: {  	p1 =	sne.s32 s0, $0x180  }
.Ltmp21:
0x316: {  	_ = 	snop;
	(pc) =	sbr.rel @p1 .LBB2_39-.Ltmp21, $3  }
0x317: {  	_ =	sdelay $0x1  }
0x318: {  	v4 =	vpop (erf)  }
0x319: {  	s0 =	sadd.s32 $0x40, s0;
	[tilespmem:s1+$0x12B00] =	vst v4;
	v3 =	vadd.f32 v4, v3  }
0x31a: {  	_ = 	snop  }
0x31b: {  	(xrf2) =	vadd.scan.msk.f32 $0xffff, v3;
	_ =	sdelay $0x9  }
0x31c: {  	v2, _, _ =	vpop (xrf2)  }
0x31d: {  	v2 =	vbroadcast v2, $0xF;
	_ =	sdelay $0x1  }
0x31e: {  	(erf) = vrcp.f32 v2;
	_ =	sdelay $0x3  }
0x31f: {  	s0 =	simm.s32 $0x11440  }
0x320: {  	v5 =	vld [tilespmem:s0+$0x30]  }
0x321: {  	v7 =	vld [tilespmem:s0+$0xFFFFFFD0]  }
0x322: {  	v9 =	vld [tilespmem:s0+$0xFFFFFFE0]  }
0x323: {  	v6 =	vld [tilespmem:s0+$0xFFFFFFF0]  }
0x324: {  	v4 =	vld [tilespmem:s0+$0x0];
	v2 =	vpop (erf)  }
0x325: {  	v3 =	vld [tilespmem:s0+$0x10];
	v10 =	vmul.f32 v5, v2  }
0x326: {  	v5 =	vld [tilespmem:s0+$0x20];
	v8 =	vmul.f32 v7, v2  }
0x327: {  	s1 =	simm.s32 $0x0;
	s2 =	simm.s32 $0x114C0;
	v7 =	vld [tilespmem:s0+$0xFFFFFFC0];
	v9 =	vmul.f32 v9, v2;
	[tilespmem:s0+$0x30] =	vst v10  }
.LBB2_41:
0x328: {  	v10 =	vld [tilespmem:s2+$0x30];
	s1 =	sadd.s32 $0x8, s1;
	[tilespmem:s0+$0xFFFFFFD0] =	vst v8;
	v6 =	vmul.f32 v6, v2  }
0x329: {  	v8 =	vld [tilespmem:s2+$0xFFFFFFD0];
	p1 =	slt.u32 s1, $0x168;
	[tilespmem:s0+$0xFFFFFFE0] =	vst v9;
	v4 =	vmul.f32 v4, v2  }
0x32a: {  	v9 =	vld [tilespmem:s2+$0xFFFFFFE0];
	[tilespmem:s0+$0xFFFFFFF0] =	vst v6;
	v3 =	vmul.f32 v3, v2  }
.Ltmp22:
0x32b: {  	v6 =	vld [tilespmem:s2+$0xFFFFFFF0];
	[tilespmem:s0+$0x0] =	vst v4;
	v5 =	vmul.f32 v5, v2;
	(pc) =	sbr.rel @p1 .LBB2_41-.Ltmp22, $4  }
0x32c: {  	v4 =	vld [tilespmem:s2+$0x0];
	v7 =	vmul.f32 v7, v2;
	[tilespmem:s0+$0x10] =	vst v3  }
0x32d: {  	v3 =	vld [tilespmem:s2+$0x10];
	v10 =	vmul.f32 v10, v2;
	[tilespmem:s0+$0x20] =	vst v5  }
0x32e: {  	v8 =	vmul.f32 v8, v2;
	v5 =	vld [tilespmem:s2+$0x20];
	[tilespmem:s0+$0xFFFFFFC0] =	vst v7;
	s0 =	smov.u32 s2  }
0x32f: {  	s3 =	simm.s32 $0x0;
	s2 =	sadd.s32 $0x80, s2;
	v7 =	vld [tilespmem:s0+$0xFFFFFFC0];
	v9 =	vmul.f32 v9, v2;
	[tilespmem:s0+$0x30] =	vst v10  }
0x330: {  	[tilespmem:s0+$0xFFFFFFD0] =	vst v8;
	v6 =	vmul.f32 v6, v2  }
0x331: {  	[tilespmem:s0+$0xFFFFFFE0] =	vst v9;
	v4 =	vmul.f32 v4, v2  }
0x332: {  	[tilespmem:s0+$0xFFFFFFF0] =	vst v6;
	v3 =	vmul.f32 v3, v2  }
0x333: {  	[tilespmem:s0+$0x0] =	vst v4;
	v62 =	vmul.f32 v5, v2  }
0x334: {  	v63 =	vmul.f32 v7, v2;
	[tilespmem:s0+$0x10] =	vst v3  }
0x335: {  	[tilespmem:s0+$0x20] =	vst v62  }
0x336: {  	[tilespmem:s0+$0xFFFFFFC0] =	vst v63  }
.LBB2_43:
0x337: {  	s0 =	sshra.s32 s3, $0x2  }
0x338: {  	v3 =	vld [tilespmem:s0+$0x12B00];
	_ =	sdelay $0x1  }
0x339: {  	p1 =	sne.s32 s3, $0x180  }
.Ltmp23:
0x33a: {  	_ = 	snop;
	(pc) =	sbr.rel @p1 .LBB2_43-.Ltmp23, $3  }
0x33b: {  	_ = 	snop  }
0x33c: {  	v3 =	vmul.f32 v3, v2;
	_ =	sdelay $0x1  }
0x33d: {  	s3 =	sadd.s32 $0x40, s3;
	[tilespmem:s0+$0x12B00] =	vst v3  }
.Ltmp24:
0x33e: {  	s0 =	rddreg [dreg:$0x6];
	s1 =	simm.s32 $0x11400;
	(pc) =	sbr.rel .LBB2_45-.Ltmp24, $4  }
0x33f: {  	[hbm4b:s0+s5] =	stream.linear.scatter [tilespmem:s1], [sflag:$0x1], $0x1780, $0x38;
	[tilespmem:$0x15600] =	vst v63  }
0x340: {  	_ =	swait.ge [sflag:s14], $0x1780  }
0x341: {  	[sflag:s14] =	ssyncset.done $0x0  }
0x342: {  	[sflag:s14] =	ssyncadd.s32 $0xFFFFE880  }
.LBB2_46:
0x343: {  	_ =	sfence.sel $0x180000  }
0x344: {  	[bflag:$0x0] =	sbarrier.arrive $0xFFFF  }
0x345: {  	_ =	strace $0x90000047  }
0x346: {  	s0 =	stileid.u32;
	[bflag:$0x2] =	sbarrier.arrive $0xFFFF  }
0x347: {  	p0 =	sne.s32 s0, $0x0;
	s0 =	rddreg [dreg:$0x5]  }
0x348: {  	s0 =	sadd.s32 @!p0 $0x100000, s0  }
0x349: {  	[sflag:s0] =	ssyncadd.tile.s32 @!p0 $0x1;
	_ =	shalt  }
.Lfunc_end2:
_tile_overlayer_lowered:
.L_overlay_start_2:
0x34a: {  	(tag) =	ssettag $0x2  }
0x34b: {  	s0 =	rddreg [dreg:$0x0];
	s2 =	stileid.u32  }
0x34c: {  	s1 =	rddreg [dreg:$0x1];
	p0 =	sne.s32 s2, $0x0  }
0x34d: {  	s3 =	rddreg [dreg:$0x2];
	[bflag:$0x3] =	sbarrier.arrive $0xFFFF;
	s2 =	simm.s32 @!p0 $0x1C01  }
0x34e: {  	[timem:s3], [sflag:s2] =	dma.local @!p0 [hbm:s0], s1  }
0x34f: {  	s0 =	simm.s32 @!p0 $0x1  }
0x350: {  	_ =	swait.ge @!p0 [sflag:s0], s1  }
0x351: {  	s1 =	ssub.s32 @!p0 $0x0, s1;
	[sflag:s0] =	ssyncset.done @!p0 $0x0  }
0x352: {  	[sflag:s0] =	ssyncadd.s32 @!p0 s1  }
0x353: {  	[bflag:$0x3] =	sbarrier.arrive $0xFFFF  }
0x354: {  	_ =	shalt  }

</sc_bundles>
